<compile_context>
chip_gen: v7x
topology: tpu7x:2x2x1
jax: 0.10.2.dev20260603
libtpu: 0.0.44.dev20260713+nightly
codegen_flags: <defaults>
</compile_context>

<pallas_src>
import functools

import jax
import jax.numpy as jnp
from jax import lax
from jax.experimental import pallas as pl
from jax.experimental.pallas import tpu as pltpu
from jax.experimental.pallas import tpu_sc as plsc

_NUM_CORES = 2
_NUM_SUBCORES = 16
_NUM_WORKERS = _NUM_CORES * _NUM_SUBCORES
_HB = 5
_BT = 128


@functools.partial(jax.jit, static_argnums=(2, 3, 4))
def _sc_embed(idx_t, table, B, H, D):
    per_w = B // _NUM_WORKERS
    bq_per_w = per_w // _BT
    h_units = H // _HB
    n_units = bq_per_w * h_units
    DQ, DR = D // 8, 8
    BQ = B // _BT
    mesh = plsc.VectorSubcoreMesh(
        core_axis_name="c", subcore_axis_name="s",
        num_cores=_NUM_CORES, num_subcores=_NUM_SUBCORES)

    @functools.partial(
        pl.kernel,
        out_type=jax.ShapeDtypeStruct((H, DQ, BQ, DR, _BT), jnp.float32),
        mesh=mesh,
        scratch_types=[
            pltpu.VMEM((_HB, _BT), jnp.int32),
            pltpu.VMEM((_HB, _BT), jnp.int32),
            pltpu.VMEM((_HB * _BT, D), jnp.float32),
            pltpu.VMEM((_HB * _BT, D), jnp.float32),
            pltpu.VMEM((_HB, DQ, 1, DR, _BT), jnp.float32),
            pltpu.VMEM((_HB, DQ, 1, DR, _BT), jnp.float32),
            pltpu.SemaphoreType.DMA,
            pltpu.SemaphoreType.DMA,
            pltpu.SemaphoreType.DMA,
            pltpu.SemaphoreType.DMA,
            pltpu.SemaphoreType.DMA,
            pltpu.SemaphoreType.DMA,
        ],
        compiler_params=pltpu.CompilerParams(
            use_tc_tiling_on_sc=False, needs_layout_passes=False),
    )
    def k(idx_hbm, table_hbm, out_hbm,
          list0, list1, rows0, rows1, perm0, perm1,
          sl0, sl1, sg0, sg1, ss0, ss1):
        wid = lax.axis_index("s") * _NUM_CORES + lax.axis_index("c")
        list_v = (list0, list1)
        rows_v = (rows0, rows1)
        perm_v = (perm0, perm1)
        sl = (sl0, sl1)
        sg = (sg0, sg1)
        ss = (ss0, ss1)

        iota16 = lax.broadcasted_iota(jnp.int32, (16,), 0)
        d_vecs = [jnp.full((16,), d, jnp.int32) for d in range(D)]

        def unit_pos(u):
            return wid * bq_per_w + u // h_units, (u % h_units) * _HB

        def start_list(u, s):
            bq, h0 = unit_pos(u)
            pltpu.async_copy(
                idx_hbm.at[pl.ds(h0, _HB), pl.ds(bq * _BT, _BT)],
                list_v[s], sl[s])

        def wait_list(s):
            pltpu.make_async_copy(
                idx_hbm.at[pl.ds(0, _HB), pl.ds(0, _BT)],
                list_v[s], sl[s]).wait()

        def start_gathers(s):
            for hh in range(_HB):
                pltpu.async_copy(table_hbm.at[list_v[s].at[hh]],
                                 rows_v[s].at[pl.ds(hh * _BT, _BT)], sg[s])

        def wait_gathers(s):
            for hh in range(_HB):
                pltpu.make_async_copy(
                    table_hbm.at[list_v[s].at[hh]],
                    rows_v[s].at[pl.ds(hh * _BT, _BT)], sg[s]).wait()

        def transpose(s):
            rows = rows_v[s]
            perm = perm_v[s]

            @functools.partial(plsc.parallel_loop, 0, _HB)
            def h_body(hh):
                for j in range(_BT // 16):
                    blk = rows.at[pl.ds(hh * _BT + j * 16, 16)]
                    for d in range(D):
                        v = plsc.load_gather(blk, [iota16, d_vecs[d]])
                        perm[hh, d // DR, 0, d % DR, pl.ds(j * 16, 16)] = v

        def start_store(u, s):
            bq, h0 = unit_pos(u)
            pltpu.async_copy(
                perm_v[s],
                out_hbm.at[pl.ds(h0, _HB), :, pl.ds(bq, 1), :, :], ss[s])

        def wait_store(s):
            pltpu.make_async_copy(
                perm_v[s],
                out_hbm.at[pl.ds(0, _HB), :, pl.ds(0, 1), :, :], ss[s]).wait()

        start_list(0, 0)
        start_list(1, 1)
        wait_list(0)
        start_gathers(0)
        wait_list(1)
        start_gathers(1)
        for s in range(2):
            wait_gathers(s)
            transpose(s)
            start_store(s, s)
            start_list(s + 2, s)
            wait_list(s)
            start_gathers(s)

        def body(p, carry):
            for s in range(2):
                u = 2 * p + s
                wait_gathers(s)
                wait_store(s)
                transpose(s)
                start_store(u, s)
                start_list(u + 2, s)
                wait_list(s)
                start_gathers(s)
            return carry

        lax.fori_loop(1, n_units // 2 - 1, body, 0, unroll=False)

        for s in range(2):
            u = n_units - 2 + s
            wait_gathers(s)
            wait_store(s)
            transpose(s)
            start_store(u, s)
        wait_store(0)
        wait_store(1)

    return k(idx_t, table)


def kernel(inputs, table):
    B, H = inputs.shape
    V, D = table.shape
    idx_t = inputs.T.astype(jnp.int32)
    out5 = _sc_embed(idx_t, table, B, H, D)
    return out5.transpose(2, 4, 0, 1, 3).reshape(B, H, D)

# --- scband reference (transcript-rebuilt; emitter-appended) ---
"""Pipeline reference for scband-token-embedding-74577812128194 (READ-ONLY COPY).

The authoritative reference and input builder live on the scoring server;
editing this copy changes nothing except your own understanding.
"""

import jax, jax.numpy as jnp
import numpy as np

VOCAB = 1000000
EMBED_DIM = 32
BATCH = 16384
HIST = 50

def setup_inputs(seed: int = 0) -> dict:
    key = jax.random.key(seed)
    k_idx, k_tab = jax.random.split(key)
    inputs = jax.random.randint(k_idx, (BATCH, HIST), 0, VOCAB, dtype=jnp.int64 if jax.config.jax_enable_x64 else jnp.int32)
    table = jax.random.normal(k_tab, (VOCAB, EMBED_DIM), dtype=jnp.float32) * 0.02
    return {"inputs": inputs, "table": table}

def reference(inputs, table):
    # Keras Embedding: gather rows of the table by index
    return jnp.take(table, inputs, axis=0)

if __name__ == "__main__":
    import jax
    _d = setup_inputs()
    print(jax.jit(kernel)(*tuple(_d.values())))

</pallas_src>

<mosaic_0001>
#map = affine_map<(d0, d1) -> (0, 0)>
#map1 = affine_map<(d0, d1) -> (0, 0, 0, 0, 0)>
module attributes {stable_mosaic.version = 14 : i64} {
  func.func @k(%arg0: i32, %arg1: i32, %arg2: memref<50x16384xi32, #tpu.memory_space<hbm>>, %arg3: memref<1000000x32xf32, #tpu.memory_space<hbm>>, %arg4: memref<50x4x128x8x128xf32, #tpu.memory_space<hbm>>, %arg5: memref<5x128xi32, #tpu.memory_space<vmem>>, %arg6: memref<5x128xi32, #tpu.memory_space<vmem>>, %arg7: memref<640x32xf32, #tpu.memory_space<vmem>>, %arg8: memref<640x32xf32, #tpu.memory_space<vmem>>, %arg9: memref<5x4x1x8x128xf32, #tpu.memory_space<vmem>>, %arg10: memref<5x4x1x8x128xf32, #tpu.memory_space<vmem>>, %arg11: memref<!tpu.dma_semaphore, #tpu.memory_space<semaphore_mem>>, %arg12: memref<!tpu.dma_semaphore, #tpu.memory_space<semaphore_mem>>, %arg13: memref<!tpu.dma_semaphore, #tpu.memory_space<semaphore_mem>>, %arg14: memref<!tpu.dma_semaphore, #tpu.memory_space<semaphore_mem>>, %arg15: memref<!tpu.dma_semaphore, #tpu.memory_space<semaphore_mem>>, %arg16: memref<!tpu.dma_semaphore, #tpu.memory_space<semaphore_mem>>) attributes {dimension_semantics = [#tpu.dimension_semantics<core_parallel>, #tpu.dimension_semantics<subcore_parallel>], iteration_bounds = array<i64: 2, 16>, scalar_prefetch = 0 : i64, scratch_operands = 12 : i64, tpu.core_type = #tpu.core_type<sc_vector_subcore>, window_params = [{transform_indices = #map}, {transform_indices = #map}, {transform_indices = #map1}]} {
    %mul3A = arith.constant 2 : i32
    %mul3A_0 = arith.muli %arg1, %mul3A : i32
    %add3A = arith.addi %mul3A_0, %arg0 : i32
    %iota3A = tpu.iota {dimensions = array<i32: 0>} : vector<16xi32>
    %broadcast_in_dim3A = arith.constant 0 : i32
    %broadcast_in_dim3A_1 = vector.broadcast %broadcast_in_dim3A : i32 to vector<16xi32>
    %broadcast_in_dim3A_2 = arith.constant 1 : i32
    %broadcast_in_dim3A_3 = vector.broadcast %broadcast_in_dim3A_2 : i32 to vector<16xi32>
    %broadcast_in_dim3A_4 = arith.constant 2 : i32
    %broadcast_in_dim3A_5 = vector.broadcast %broadcast_in_dim3A_4 : i32 to vector<16xi32>
    %broadcast_in_dim3A_6 = arith.constant 3 : i32
    %broadcast_in_dim3A_7 = vector.broadcast %broadcast_in_dim3A_6 : i32 to vector<16xi32>
    %broadcast_in_dim3A_8 = arith.constant 4 : i32
    %broadcast_in_dim3A_9 = vector.broadcast %broadcast_in_dim3A_8 : i32 to vector<16xi32>
    %broadcast_in_dim3A_10 = arith.constant 5 : i32
    %broadcast_in_dim3A_11 = vector.broadcast %broadcast_in_dim3A_10 : i32 to vector<16xi32>
    %broadcast_in_dim3A_12 = arith.constant 6 : i32
    %broadcast_in_dim3A_13 = vector.broadcast %broadcast_in_dim3A_12 : i32 to vector<16xi32>
    %broadcast_in_dim3A_14 = arith.constant 7 : i32
    %broadcast_in_dim3A_15 = vector.broadcast %broadcast_in_dim3A_14 : i32 to vector<16xi32>
    %broadcast_in_dim3A_16 = arith.constant 8 : i32
    %broadcast_in_dim3A_17 = vector.broadcast %broadcast_in_dim3A_16 : i32 to vector<16xi32>
    %broadcast_in_dim3A_18 = arith.constant 9 : i32
    %broadcast_in_dim3A_19 = vector.broadcast %broadcast_in_dim3A_18 : i32 to vector<16xi32>
    %broadcast_in_dim3A_20 = arith.constant 10 : i32
    %broadcast_in_dim3A_21 = vector.broadcast %broadcast_in_dim3A_20 : i32 to vector<16xi32>
    %broadcast_in_dim3A_22 = arith.constant 11 : i32
    %broadcast_in_dim3A_23 = vector.broadcast %broadcast_in_dim3A_22 : i32 to vector<16xi32>
    %broadcast_in_dim3A_24 = arith.constant 12 : i32
    %broadcast_in_dim3A_25 = vector.broadcast %broadcast_in_dim3A_24 : i32 to vector<16xi32>
    %broadcast_in_dim3A_26 = arith.constant 13 : i32
    %broadcast_in_dim3A_27 = vector.broadcast %broadcast_in_dim3A_26 : i32 to vector<16xi32>
    %broadcast_in_dim3A_28 = arith.constant 14 : i32
    %broadcast_in_dim3A_29 = vector.broadcast %broadcast_in_dim3A_28 : i32 to vector<16xi32>
    %broadcast_in_dim3A_30 = arith.constant 15 : i32
    %broadcast_in_dim3A_31 = vector.broadcast %broadcast_in_dim3A_30 : i32 to vector<16xi32>
    %broadcast_in_dim3A_32 = arith.constant 16 : i32
    %broadcast_in_dim3A_33 = vector.broadcast %broadcast_in_dim3A_32 : i32 to vector<16xi32>
    %broadcast_in_dim3A_34 = arith.constant 17 : i32
    %broadcast_in_dim3A_35 = vector.broadcast %broadcast_in_dim3A_34 : i32 to vector<16xi32>
    %broadcast_in_dim3A_36 = arith.constant 18 : i32
    %broadcast_in_dim3A_37 = vector.broadcast %broadcast_in_dim3A_36 : i32 to vector<16xi32>
    %broadcast_in_dim3A_38 = arith.constant 19 : i32
    %broadcast_in_dim3A_39 = vector.broadcast %broadcast_in_dim3A_38 : i32 to vector<16xi32>
    %broadcast_in_dim3A_40 = arith.constant 20 : i32
    %broadcast_in_dim3A_41 = vector.broadcast %broadcast_in_dim3A_40 : i32 to vector<16xi32>
    %broadcast_in_dim3A_42 = arith.constant 21 : i32
    %broadcast_in_dim3A_43 = vector.broadcast %broadcast_in_dim3A_42 : i32 to vector<16xi32>
    %broadcast_in_dim3A_44 = arith.constant 22 : i32
    %broadcast_in_dim3A_45 = vector.broadcast %broadcast_in_dim3A_44 : i32 to vector<16xi32>
    %broadcast_in_dim3A_46 = arith.constant 23 : i32
    %broadcast_in_dim3A_47 = vector.broadcast %broadcast_in_dim3A_46 : i32 to vector<16xi32>
    %broadcast_in_dim3A_48 = arith.constant 24 : i32
    %broadcast_in_dim3A_49 = vector.broadcast %broadcast_in_dim3A_48 : i32 to vector<16xi32>
    %broadcast_in_dim3A_50 = arith.constant 25 : i32
    %broadcast_in_dim3A_51 = vector.broadcast %broadcast_in_dim3A_50 : i32 to vector<16xi32>
    %broadcast_in_dim3A_52 = arith.constant 26 : i32
    %broadcast_in_dim3A_53 = vector.broadcast %broadcast_in_dim3A_52 : i32 to vector<16xi32>
    %broadcast_in_dim3A_54 = arith.constant 27 : i32
    %broadcast_in_dim3A_55 = vector.broadcast %broadcast_in_dim3A_54 : i32 to vector<16xi32>
    %broadcast_in_dim3A_56 = arith.constant 28 : i32
    %broadcast_in_dim3A_57 = vector.broadcast %broadcast_in_dim3A_56 : i32 to vector<16xi32>
    %broadcast_in_dim3A_58 = arith.constant 29 : i32
    %broadcast_in_dim3A_59 = vector.broadcast %broadcast_in_dim3A_58 : i32 to vector<16xi32>
    %broadcast_in_dim3A_60 = arith.constant 30 : i32
    %broadcast_in_dim3A_61 = vector.broadcast %broadcast_in_dim3A_60 : i32 to vector<16xi32>
    %broadcast_in_dim3A_62 = arith.constant 31 : i32
    %broadcast_in_dim3A_63 = vector.broadcast %broadcast_in_dim3A_62 : i32 to vector<16xi32>
    %mul3A_64 = arith.constant 4 : i32
    %mul3A_65 = arith.muli %add3A, %mul3A_64 : i32
    %add3A_66 = arith.constant 0 : i32
    %add3A_67 = arith.addi %mul3A_65, %add3A_66 : i32
    %mul3A_68 = arith.constant 128 : i32
    %mul3A_69 = arith.muli %add3A_67, %mul3A_68 : i32
    %dma_start3A = arith.constant 0 : i32
    %dma_start3A_70 = tpu.memref_slice %arg2[%dma_start3A, %mul3A_69] : memref<50x16384xi32, #tpu.memory_space<hbm>> -> memref<5x128xi32, #tpu.memory_space<hbm>>
    %dma_start3A_71 = arith.constant 0 : i32
    %dma_start3A_72 = tpu.memref_slice %arg2[%dma_start3A_71, %mul3A_69] : memref<50x16384xi32, #tpu.memory_space<hbm>> -> memref<5x128xi32, #tpu.memory_space<hbm>>
    tpu.enqueue_dma source(%dma_start3A_72 : memref<5x128xi32, #tpu.memory_space<hbm>>) target(%arg5 : memref<5x128xi32, #tpu.memory_space<vmem>>) target_semaphore(%arg11 : memref<!tpu.dma_semaphore, #tpu.memory_space<semaphore_mem>>)
    %mul3A_73 = arith.constant 4 : i32
    %mul3A_74 = arith.muli %add3A, %mul3A_73 : i32
    %add3A_75 = arith.constant 0 : i32
    %add3A_76 = arith.addi %mul3A_74, %add3A_75 : i32
    %mul3A_77 = arith.constant 128 : i32
    %mul3A_78 = arith.muli %add3A_76, %mul3A_77 : i32
    %dma_start3A_79 = arith.constant 5 : i32
    %dma_start3A_80 = tpu.memref_slice %arg2[%dma_start3A_79, %mul3A_78] : memref<50x16384xi32, #tpu.memory_space<hbm>> -> memref<5x128xi32, #tpu.memory_space<hbm>>
    %dma_start3A_81 = arith.constant 5 : i32
    %dma_start3A_82 = tpu.memref_slice %arg2[%dma_start3A_81, %mul3A_78] : memref<50x16384xi32, #tpu.memory_space<hbm>> -> memref<5x128xi32, #tpu.memory_space<hbm>>
    tpu.enqueue_dma source(%dma_start3A_82 : memref<5x128xi32, #tpu.memory_space<hbm>>) target(%arg6 : memref<5x128xi32, #tpu.memory_space<vmem>>) target_semaphore(%arg12 : memref<!tpu.dma_semaphore, #tpu.memory_space<semaphore_mem>>)
    %dma_wait3A = arith.constant 0 : i32
    %dma_wait3A_83 = arith.constant 0 : i32
    %dma_wait3A_84 = tpu.memref_slice %arg2[%dma_wait3A, %dma_wait3A_83] : memref<50x16384xi32, #tpu.memory_space<hbm>> -> memref<5x128xi32, #tpu.memory_space<hbm>>
    %dma_wait3A_85 = arith.constant 0 : i32
    %dma_wait3A_86 = arith.constant 0 : i32
    %dma_wait3A_87 = tpu.memref_slice %arg2[%dma_wait3A_85, %dma_wait3A_86] : memref<50x16384xi32, #tpu.memory_space<hbm>> -> memref<5x128xi32, #tpu.memory_space<hbm>>
    tpu.wait_dma2 semaphore(%arg11 : memref<!tpu.dma_semaphore, #tpu.memory_space<semaphore_mem>>) src(%dma_wait3A_87 : memref<5x128xi32, #tpu.memory_space<hbm>>) dst(%arg5 : memref<5x128xi32, #tpu.memory_space<vmem>>)
    %dma_start3A_88 = arith.constant 0 : i32
    %dma_start3A_89 = arith.constant 0 : i32
    %dma_start3A_90 = arith.constant 0 : i32
    %dma_start3A_91 = tpu.memref_slice %arg7[%dma_start3A_89, %dma_start3A_90] : memref<640x32xf32, #tpu.memory_space<vmem>> -> memref<128x32xf32, #tpu.memory_space<vmem>>
    %dma_start3A_92 = arith.constant 0 : i32
    %dma_start3A_93 = tpu.memref_slice %arg5[%dma_start3A_88, %dma_start3A_92] : memref<5x128xi32, #tpu.memory_space<vmem>> -> memref<1x128xi32, #tpu.memory_space<vmem>>
    %dma_start3A_94 = tpu.memref_squeeze %dma_start3A_93 : memref<1x128xi32, #tpu.memory_space<vmem>> -> memref<128xi32, #tpu.memory_space<vmem>>
    %dma_start3A_95 = arith.constant 0 : i32
    %dma_start3A_96 = arith.constant 0 : i32
    %dma_start3A_97 = tpu.memref_slice %arg3[%dma_start3A_95, %dma_start3A_96] : memref<1000000x32xf32, #tpu.memory_space<hbm>> -> memref<1000000x32xf32, #tpu.memory_space<hbm>>
    tpu.enqueue_indirect_dma source(%dma_start3A_97 : memref<1000000x32xf32, #tpu.memory_space<hbm>>) target(%dma_start3A_91 : memref<128x32xf32, #tpu.memory_space<vmem>>) offsets(%dma_start3A_94 : memref<128xi32, #tpu.memory_space<vmem>>) semaphore(%arg13 : memref<!tpu.dma_semaphore, #tpu.memory_space<semaphore_mem>>)
    %dma_start3A_98 = arith.constant 1 : i32
    %dma_start3A_99 = arith.constant 128 : i32
    %dma_start3A_100 = arith.constant 0 : i32
    %dma_start3A_101 = tpu.memref_slice %arg7[%dma_start3A_99, %dma_start3A_100] : memref<640x32xf32, #tpu.memory_space<vmem>> -> memref<128x32xf32, #tpu.memory_space<vmem>>
    %dma_start3A_102 = arith.constant 0 : i32
    %dma_start3A_103 = tpu.memref_slice %arg5[%dma_start3A_98, %dma_start3A_102] : memref<5x128xi32, #tpu.memory_space<vmem>> -> memref<1x128xi32, #tpu.memory_space<vmem>>
    %dma_start3A_104 = tpu.memref_squeeze %dma_start3A_103 : memref<1x128xi32, #tpu.memory_space<vmem>> -> memref<128xi32, #tpu.memory_space<vmem>>
    %dma_start3A_105 = arith.constant 0 : i32
    %dma_start3A_106 = arith.constant 0 : i32
    %dma_start3A_107 = tpu.memref_slice %arg3[%dma_start3A_105, %dma_start3A_106] : memref<1000000x32xf32, #tpu.memory_space<hbm>> -> memref<1000000x32xf32, #tpu.memory_space<hbm>>
    tpu.enqueue_indirect_dma source(%dma_start3A_107 : memref<1000000x32xf32, #tpu.memory_space<hbm>>) target(%dma_start3A_101 : memref<128x32xf32, #tpu.memory_space<vmem>>) offsets(%dma_start3A_104 : memref<128xi32, #tpu.memory_space<vmem>>) semaphore(%arg13 : memref<!tpu.dma_semaphore, #tpu.memory_space<semaphore_mem>>)
    %dma_start3A_108 = arith.constant 2 : i32
    %dma_start3A_109 = arith.constant 256 : i32
    %dma_start3A_110 = arith.constant 0 : i32
    %dma_start3A_111 = tpu.memref_slice %arg7[%dma_start3A_109, %dma_start3A_110] : memref<640x32xf32, #tpu.memory_space<vmem>> -> memref<128x32xf32, #tpu.memory_space<vmem>>
    %dma_start3A_112 = arith.constant 0 : i32
    %dma_start3A_113 = tpu.memref_slice %arg5[%dma_start3A_108, %dma_start3A_112] : memref<5x128xi32, #tpu.memory_space<vmem>> -> memref<1x128xi32, #tpu.memory_space<vmem>>
    %dma_start3A_114 = tpu.memref_squeeze %dma_start3A_113 : memref<1x128xi32, #tpu.memory_space<vmem>> -> memref<128xi32, #tpu.memory_space<vmem>>
    %dma_start3A_115 = arith.constant 0 : i32
    %dma_start3A_116 = arith.constant 0 : i32
    %dma_start3A_117 = tpu.memref_slice %arg3[%dma_start3A_115, %dma_start3A_116] : memref<1000000x32xf32, #tpu.memory_space<hbm>> -> memref<1000000x32xf32, #tpu.memory_space<hbm>>
    tpu.enqueue_indirect_dma source(%dma_start3A_117 : memref<1000000x32xf32, #tpu.memory_space<hbm>>) target(%dma_start3A_111 : memref<128x32xf32, #tpu.memory_space<vmem>>) offsets(%dma_start3A_114 : memref<128xi32, #tpu.memory_space<vmem>>) semaphore(%arg13 : memref<!tpu.dma_semaphore, #tpu.memory_space<semaphore_mem>>)
    %dma_start3A_118 = arith.constant 3 : i32
    %dma_start3A_119 = arith.constant 384 : i32
    %dma_start3A_120 = arith.constant 0 : i32
    %dma_start3A_121 = tpu.memref_slice %arg7[%dma_start3A_119, %dma_start3A_120] : memref<640x32xf32, #tpu.memory_space<vmem>> -> memref<128x32xf32, #tpu.memory_space<vmem>>
    %dma_start3A_122 = arith.constant 0 : i32
    %dma_start3A_123 = tpu.memref_slice %arg5[%dma_start3A_118, %dma_start3A_122] : memref<5x128xi32, #tpu.memory_space<vmem>> -> memref<1x128xi32, #tpu.memory_space<vmem>>
    %dma_start3A_124 = tpu.memref_squeeze %dma_start3A_123 : memref<1x128xi32, #tpu.memory_space<vmem>> -> memref<128xi32, #tpu.memory_space<vmem>>
    %dma_start3A_125 = arith.constant 0 : i32
    %dma_start3A_126 = arith.constant 0 : i32
    %dma_start3A_127 = tpu.memref_slice %arg3[%dma_start3A_125, %dma_start3A_126] : memref<1000000x32xf32, #tpu.memory_space<hbm>> -> memref<1000000x32xf32, #tpu.memory_space<hbm>>
    tpu.enqueue_indirect_dma source(%dma_start3A_127 : memref<1000000x32xf32, #tpu.memory_space<hbm>>) target(%dma_start3A_121 : memref<128x32xf32, #tpu.memory_space<vmem>>) offsets(%dma_start3A_124 : memref<128xi32, #tpu.memory_space<vmem>>) semaphore(%arg13 : memref<!tpu.dma_semaphore, #tpu.memory_space<semaphore_mem>>)
    %dma_start3A_128 = arith.constant 4 : i32
    %dma_start3A_129 = arith.constant 512 : i32
    %dma_start3A_130 = arith.constant 0 : i32
    %dma_start3A_131 = tpu.memref_slice %arg7[%dma_start3A_129, %dma_start3A_130] : memref<640x32xf32, #tpu.memory_space<vmem>> -> memref<128x32xf32, #tpu.memory_space<vmem>>
    %dma_start3A_132 = arith.constant 0 : i32
    %dma_start3A_133 = tpu.memref_slice %arg5[%dma_start3A_128, %dma_start3A_132] : memref<5x128xi32, #tpu.memory_space<vmem>> -> memref<1x128xi32, #tpu.memory_space<vmem>>
    %dma_start3A_134 = tpu.memref_squeeze %dma_start3A_133 : memref<1x128xi32, #tpu.memory_space<vmem>> -> memref<128xi32, #tpu.memory_space<vmem>>
    %dma_start3A_135 = arith.constant 0 : i32
    %dma_start3A_136 = arith.constant 0 : i32
    %dma_start3A_137 = tpu.memref_slice %arg3[%dma_start3A_135, %dma_start3A_136] : memref<1000000x32xf32, #tpu.memory_space<hbm>> -> memref<1000000x32xf32, #tpu.memory_space<hbm>>
    tpu.enqueue_indirect_dma source(%dma_start3A_137 : memref<1000000x32xf32, #tpu.memory_space<hbm>>) target(%dma_start3A_131 : memref<128x32xf32, #tpu.memory_space<vmem>>) offsets(%dma_start3A_134 : memref<128xi32, #tpu.memory_space<vmem>>) semaphore(%arg13 : memref<!tpu.dma_semaphore, #tpu.memory_space<semaphore_mem>>)
    %dma_wait3A_138 = arith.constant 0 : i32
    %dma_wait3A_139 = arith.constant 0 : i32
    %dma_wait3A_140 = tpu.memref_slice %arg2[%dma_wait3A_138, %dma_wait3A_139] : memref<50x16384xi32, #tpu.memory_space<hbm>> -> memref<5x128xi32, #tpu.memory_space<hbm>>
    %dma_wait3A_141 = arith.constant 0 : i32
    %dma_wait3A_142 = arith.constant 0 : i32
    %dma_wait3A_143 = tpu.memref_slice %arg2[%dma_wait3A_141, %dma_wait3A_142] : memref<50x16384xi32, #tpu.memory_space<hbm>> -> memref<5x128xi32, #tpu.memory_space<hbm>>
    tpu.wait_dma2 semaphore(%arg12 : memref<!tpu.dma_semaphore, #tpu.memory_space<semaphore_mem>>) src(%dma_wait3A_143 : memref<5x128xi32, #tpu.memory_space<hbm>>) dst(%arg6 : memref<5x128xi32, #tpu.memory_space<vmem>>)
    %dma_start3A_144 = arith.constant 0 : i32
    %dma_start3A_145 = arith.constant 0 : i32
    %dma_start3A_146 = arith.constant 0 : i32
    %dma_start3A_147 = tpu.memref_slice %arg8[%dma_start3A_145, %dma_start3A_146] : memref<640x32xf32, #tpu.memory_space<vmem>> -> memref<128x32xf32, #tpu.memory_space<vmem>>
    %dma_start3A_148 = arith.constant 0 : i32
    %dma_start3A_149 = tpu.memref_slice %arg6[%dma_start3A_144, %dma_start3A_148] : memref<5x128xi32, #tpu.memory_space<vmem>> -> memref<1x128xi32, #tpu.memory_space<vmem>>
    %dma_start3A_150 = tpu.memref_squeeze %dma_start3A_149 : memref<1x128xi32, #tpu.memory_space<vmem>> -> memref<128xi32, #tpu.memory_space<vmem>>
    %dma_start3A_151 = arith.constant 0 : i32
    %dma_start3A_152 = arith.constant 0 : i32
    %dma_start3A_153 = tpu.memref_slice %arg3[%dma_start3A_151, %dma_start3A_152] : memref<1000000x32xf32, #tpu.memory_space<hbm>> -> memref<1000000x32xf32, #tpu.memory_space<hbm>>
    tpu.enqueue_indirect_dma source(%dma_start3A_153 : memref<1000000x32xf32, #tpu.memory_space<hbm>>) target(%dma_start3A_147 : memref<128x32xf32, #tpu.memory_space<vmem>>) offsets(%dma_start3A_150 : memref<128xi32, #tpu.memory_space<vmem>>) semaphore(%arg14 : memref<!tpu.dma_semaphore, #tpu.memory_space<semaphore_mem>>)
    %dma_start3A_154 = arith.constant 1 : i32
    %dma_start3A_155 = arith.constant 128 : i32
    %dma_start3A_156 = arith.constant 0 : i32
    %dma_start3A_157 = tpu.memref_slice %arg8[%dma_start3A_155, %dma_start3A_156] : memref<640x32xf32, #tpu.memory_space<vmem>> -> memref<128x32xf32, #tpu.memory_space<vmem>>
    %dma_start3A_158 = arith.constant 0 : i32
    %dma_start3A_159 = tpu.memref_slice %arg6[%dma_start3A_154, %dma_start3A_158] : memref<5x128xi32, #tpu.memory_space<vmem>> -> memref<1x128xi32, #tpu.memory_space<vmem>>
    %dma_start3A_160 = tpu.memref_squeeze %dma_start3A_159 : memref<1x128xi32, #tpu.memory_space<vmem>> -> memref<128xi32, #tpu.memory_space<vmem>>
    %dma_start3A_161 = arith.constant 0 : i32
    %dma_start3A_162 = arith.constant 0 : i32
    %dma_start3A_163 = tpu.memref_slice %arg3[%dma_start3A_161, %dma_start3A_162] : memref<1000000x32xf32, #tpu.memory_space<hbm>> -> memref<1000000x32xf32, #tpu.memory_space<hbm>>
    tpu.enqueue_indirect_dma source(%dma_start3A_163 : memref<1000000x32xf32, #tpu.memory_space<hbm>>) target(%dma_start3A_157 : memref<128x32xf32, #tpu.memory_space<vmem>>) offsets(%dma_start3A_160 : memref<128xi32, #tpu.memory_space<vmem>>) semaphore(%arg14 : memref<!tpu.dma_semaphore, #tpu.memory_space<semaphore_mem>>)
    %dma_start3A_164 = arith.constant 2 : i32
    %dma_start3A_165 = arith.constant 256 : i32
    %dma_start3A_166 = arith.constant 0 : i32
    %dma_start3A_167 = tpu.memref_slice %arg8[%dma_start3A_165, %dma_start3A_166] : memref<640x32xf32, #tpu.memory_space<vmem>> -> memref<128x32xf32, #tpu.memory_space<vmem>>
    %dma_start3A_168 = arith.constant 0 : i32
    %dma_start3A_169 = tpu.memref_slice %arg6[%dma_start3A_164, %dma_start3A_168] : memref<5x128xi32, #tpu.memory_space<vmem>> -> memref<1x128xi32, #tpu.memory_space<vmem>>
    %dma_start3A_170 = tpu.memref_squeeze %dma_start3A_169 : memref<1x128xi32, #tpu.memory_space<vmem>> -> memref<128xi32, #tpu.memory_space<vmem>>
    %dma_start3A_171 = arith.constant 0 : i32
    %dma_start3A_172 = arith.constant 0 : i32
    %dma_start3A_173 = tpu.memref_slice %arg3[%dma_start3A_171, %dma_start3A_172] : memref<1000000x32xf32, #tpu.memory_space<hbm>> -> memref<1000000x32xf32, #tpu.memory_space<hbm>>
    tpu.enqueue_indirect_dma source(%dma_start3A_173 : memref<1000000x32xf32, #tpu.memory_space<hbm>>) target(%dma_start3A_167 : memref<128x32xf32, #tpu.memory_space<vmem>>) offsets(%dma_start3A_170 : memref<128xi32, #tpu.memory_space<vmem>>) semaphore(%arg14 : memref<!tpu.dma_semaphore, #tpu.memory_space<semaphore_mem>>)
    %dma_start3A_174 = arith.constant 3 : i32
    %dma_start3A_175 = arith.constant 384 : i32
    %dma_start3A_176 = arith.constant 0 : i32
    %dma_start3A_177 = tpu.memref_slice %arg8[%dma_start3A_175, %dma_start3A_176] : memref<640x32xf32, #tpu.memory_space<vmem>> -> memref<128x32xf32, #tpu.memory_space<vmem>>
    %dma_start3A_178 = arith.constant 0 : i32
    %dma_start3A_179 = tpu.memref_slice %arg6[%dma_start3A_174, %dma_start3A_178] : memref<5x128xi32, #tpu.memory_space<vmem>> -> memref<1x128xi32, #tpu.memory_space<vmem>>
    %dma_start3A_180 = tpu.memref_squeeze %dma_start3A_179 : memref<1x128xi32, #tpu.memory_space<vmem>> -> memref<128xi32, #tpu.memory_space<vmem>>
    %dma_start3A_181 = arith.constant 0 : i32
    %dma_start3A_182 = arith.constant 0 : i32
    %dma_start3A_183 = tpu.memref_slice %arg3[%dma_start3A_181, %dma_start3A_182] : memref<1000000x32xf32, #tpu.memory_space<hbm>> -> memref<1000000x32xf32, #tpu.memory_space<hbm>>
    tpu.enqueue_indirect_dma source(%dma_start3A_183 : memref<1000000x32xf32, #tpu.memory_space<hbm>>) target(%dma_start3A_177 : memref<128x32xf32, #tpu.memory_space<vmem>>) offsets(%dma_start3A_180 : memref<128xi32, #tpu.memory_space<vmem>>) semaphore(%arg14 : memref<!tpu.dma_semaphore, #tpu.memory_space<semaphore_mem>>)
    %dma_start3A_184 = arith.constant 4 : i32
    %dma_start3A_185 = arith.constant 512 : i32
    %dma_start3A_186 = arith.constant 0 : i32
    %dma_start3A_187 = tpu.memref_slice %arg8[%dma_start3A_185, %dma_start3A_186] : memref<640x32xf32, #tpu.memory_space<vmem>> -> memref<128x32xf32, #tpu.memory_space<vmem>>
    %dma_start3A_188 = arith.constant 0 : i32
    %dma_start3A_189 = tpu.memref_slice %arg6[%dma_start3A_184, %dma_start3A_188] : memref<5x128xi32, #tpu.memory_space<vmem>> -> memref<1x128xi32, #tpu.memory_space<vmem>>
    %dma_start3A_190 = tpu.memref_squeeze %dma_start3A_189 : memref<1x128xi32, #tpu.memory_space<vmem>> -> memref<128xi32, #tpu.memory_space<vmem>>
    %dma_start3A_191 = arith.constant 0 : i32
    %dma_start3A_192 = arith.constant 0 : i32
    %dma_start3A_193 = tpu.memref_slice %arg3[%dma_start3A_191, %dma_start3A_192] : memref<1000000x32xf32, #tpu.memory_space<hbm>> -> memref<1000000x32xf32, #tpu.memory_space<hbm>>
    tpu.enqueue_indirect_dma source(%dma_start3A_193 : memref<1000000x32xf32, #tpu.memory_space<hbm>>) target(%dma_start3A_187 : memref<128x32xf32, #tpu.memory_space<vmem>>) offsets(%dma_start3A_190 : memref<128xi32, #tpu.memory_space<vmem>>) semaphore(%arg14 : memref<!tpu.dma_semaphore, #tpu.memory_space<semaphore_mem>>)
    %dma_wait3A_194 = arith.constant 0 : i32
    %dma_wait3A_195 = arith.constant 0 : i32
    %dma_wait3A_196 = arith.constant 0 : i32
    %dma_wait3A_197 = tpu.memref_slice %arg7[%dma_wait3A_195, %dma_wait3A_196] : memref<640x32xf32, #tpu.memory_space<vmem>> -> memref<128x32xf32, #tpu.memory_space<vmem>>
    %dma_wait3A_198 = arith.constant 0 : i32
    %dma_wait3A_199 = tpu.memref_slice %arg5[%dma_wait3A_194, %dma_wait3A_198] : memref<5x128xi32, #tpu.memory_space<vmem>> -> memref<1x128xi32, #tpu.memory_space<vmem>>
    %dma_wait3A_200 = tpu.memref_squeeze %dma_wait3A_199 : memref<1x128xi32, #tpu.memory_space<vmem>> -> memref<128xi32, #tpu.memory_space<vmem>>
    %dma_wait3A_201 = arith.constant 0 : i32
    %dma_wait3A_202 = arith.constant 0 : i32
    %dma_wait3A_203 = tpu.memref_slice %arg3[%dma_wait3A_201, %dma_wait3A_202] : memref<1000000x32xf32, #tpu.memory_space<hbm>> -> memref<1000000x32xf32, #tpu.memory_space<hbm>>
    tpu.wait_indirect_dma semaphore(%arg13 : memref<!tpu.dma_semaphore, #tpu.memory_space<semaphore_mem>>) src(%dma_wait3A_203 : memref<1000000x32xf32, #tpu.memory_space<hbm>>) dst(%dma_wait3A_197 : memref<128x32xf32, #tpu.memory_space<vmem>>)
    %dma_wait3A_204 = arith.constant 1 : i32
    %dma_wait3A_205 = arith.constant 128 : i32
    %dma_wait3A_206 = arith.constant 0 : i32
    %dma_wait3A_207 = tpu.memref_slice %arg7[%dma_wait3A_205, %dma_wait3A_206] : memref<640x32xf32, #tpu.memory_space<vmem>> -> memref<128x32xf32, #tpu.memory_space<vmem>>
    %dma_wait3A_208 = arith.constant 0 : i32
    %dma_wait3A_209 = tpu.memref_slice %arg5[%dma_wait3A_204, %dma_wait3A_208] : memref<5x128xi32, #tpu.memory_space<vmem>> -> memref<1x128xi32, #tpu.memory_space<vmem>>
    %dma_wait3A_210 = tpu.memref_squeeze %dma_wait3A_209 : memref<1x128xi32, #tpu.memory_space<vmem>> -> memref<128xi32, #tpu.memory_space<vmem>>
    %dma_wait3A_211 = arith.constant 0 : i32
    %dma_wait3A_212 = arith.constant 0 : i32
    %dma_wait3A_213 = tpu.memref_slice %arg3[%dma_wait3A_211, %dma_wait3A_212] : memref<1000000x32xf32, #tpu.memory_space<hbm>> -> memref<1000000x32xf32, #tpu.memory_space<hbm>>
    tpu.wait_indirect_dma semaphore(%arg13 : memref<!tpu.dma_semaphore, #tpu.memory_space<semaphore_mem>>) src(%dma_wait3A_213 : memref<1000000x32xf32, #tpu.memory_space<hbm>>) dst(%dma_wait3A_207 : memref<128x32xf32, #tpu.memory_space<vmem>>)
    %dma_wait3A_214 = arith.constant 2 : i32
    %dma_wait3A_215 = arith.constant 256 : i32
    %dma_wait3A_216 = arith.constant 0 : i32
    %dma_wait3A_217 = tpu.memref_slice %arg7[%dma_wait3A_215, %dma_wait3A_216] : memref<640x32xf32, #tpu.memory_space<vmem>> -> memref<128x32xf32, #tpu.memory_space<vmem>>
    %dma_wait3A_218 = arith.constant 0 : i32
    %dma_wait3A_219 = tpu.memref_slice %arg5[%dma_wait3A_214, %dma_wait3A_218] : memref<5x128xi32, #tpu.memory_space<vmem>> -> memref<1x128xi32, #tpu.memory_space<vmem>>
    %dma_wait3A_220 = tpu.memref_squeeze %dma_wait3A_219 : memref<1x128xi32, #tpu.memory_space<vmem>> -> memref<128xi32, #tpu.memory_space<vmem>>
    %dma_wait3A_221 = arith.constant 0 : i32
    %dma_wait3A_222 = arith.constant 0 : i32
    %dma_wait3A_223 = tpu.memref_slice %arg3[%dma_wait3A_221, %dma_wait3A_222] : memref<1000000x32xf32, #tpu.memory_space<hbm>> -> memref<1000000x32xf32, #tpu.memory_space<hbm>>
    tpu.wait_indirect_dma semaphore(%arg13 : memref<!tpu.dma_semaphore, #tpu.memory_space<semaphore_mem>>) src(%dma_wait3A_223 : memref<1000000x32xf32, #tpu.memory_space<hbm>>) dst(%dma_wait3A_217 : memref<128x32xf32, #tpu.memory_space<vmem>>)
    %dma_wait3A_224 = arith.constant 3 : i32
    %dma_wait3A_225 = arith.constant 384 : i32
    %dma_wait3A_226 = arith.constant 0 : i32
    %dma_wait3A_227 = tpu.memref_slice %arg7[%dma_wait3A_225, %dma_wait3A_226] : memref<640x32xf32, #tpu.memory_space<vmem>> -> memref<128x32xf32, #tpu.memory_space<vmem>>
    %dma_wait3A_228 = arith.constant 0 : i32
    %dma_wait3A_229 = tpu.memref_slice %arg5[%dma_wait3A_224, %dma_wait3A_228] : memref<5x128xi32, #tpu.memory_space<vmem>> -> memref<1x128xi32, #tpu.memory_space<vmem>>
    %dma_wait3A_230 = tpu.memref_squeeze %dma_wait3A_229 : memref<1x128xi32, #tpu.memory_space<vmem>> -> memref<128xi32, #tpu.memory_space<vmem>>
    %dma_wait3A_231 = arith.constant 0 : i32
    %dma_wait3A_232 = arith.constant 0 : i32
    %dma_wait3A_233 = tpu.memref_slice %arg3[%dma_wait3A_231, %dma_wait3A_232] : memref<1000000x32xf32, #tpu.memory_space<hbm>> -> memref<1000000x32xf32, #tpu.memory_space<hbm>>
    tpu.wait_indirect_dma semaphore(%arg13 : memref<!tpu.dma_semaphore, #tpu.memory_space<semaphore_mem>>) src(%dma_wait3A_233 : memref<1000000x32xf32, #tpu.memory_space<hbm>>) dst(%dma_wait3A_227 : memref<128x32xf32, #tpu.memory_space<vmem>>)
    %dma_wait3A_234 = arith.constant 4 : i32
    %dma_wait3A_235 = arith.constant 512 : i32
    %dma_wait3A_236 = arith.constant 0 : i32
    %dma_wait3A_237 = tpu.memref_slice %arg7[%dma_wait3A_235, %dma_wait3A_236] : memref<640x32xf32, #tpu.memory_space<vmem>> -> memref<128x32xf32, #tpu.memory_space<vmem>>
    %dma_wait3A_238 = arith.constant 0 : i32
    %dma_wait3A_239 = tpu.memref_slice %arg5[%dma_wait3A_234, %dma_wait3A_238] : memref<5x128xi32, #tpu.memory_space<vmem>> -> memref<1x128xi32, #tpu.memory_space<vmem>>
    %dma_wait3A_240 = tpu.memref_squeeze %dma_wait3A_239 : memref<1x128xi32, #tpu.memory_space<vmem>> -> memref<128xi32, #tpu.memory_space<vmem>>
    %dma_wait3A_241 = arith.constant 0 : i32
    %dma_wait3A_242 = arith.constant 0 : i32
    %dma_wait3A_243 = tpu.memref_slice %arg3[%dma_wait3A_241, %dma_wait3A_242] : memref<1000000x32xf32, #tpu.memory_space<hbm>> -> memref<1000000x32xf32, #tpu.memory_space<hbm>>
    tpu.wait_indirect_dma semaphore(%arg13 : memref<!tpu.dma_semaphore, #tpu.memory_space<semaphore_mem>>) src(%dma_wait3A_243 : memref<1000000x32xf32, #tpu.memory_space<hbm>>) dst(%dma_wait3A_237 : memref<128x32xf32, #tpu.memory_space<vmem>>)
    %mul3A_244 = arith.constant 4 : i32
    %mul3A_245 = arith.muli %add3A, %mul3A_244 : i32
    %add3A_246 = arith.constant 0 : i32
    %add3A_247 = arith.addi %mul3A_245, %add3A_246 : i32
    %dma_start3A_248 = arith.constant 0 : i32
    %dma_start3A_249 = arith.constant 0 : i32
    %dma_start3A_250 = arith.constant 0 : i32
    %dma_start3A_251 = arith.constant 0 : i32
    %dma_start3A_252 = tpu.memref_slice %arg4[%dma_start3A_248, %dma_start3A_249, %add3A_247, %dma_start3A_250, %dma_start3A_251] : memref<50x4x128x8x128xf32, #tpu.memory_space<hbm>> -> memref<5x4x1x8x128xf32, #tpu.memory_space<hbm>>
    %dma_start3A_253 = arith.constant 0 : i32
    %dma_start3A_254 = arith.constant 0 : i32
    %dma_start3A_255 = arith.constant 0 : i32
    %dma_start3A_256 = arith.constant 0 : i32
    %dma_start3A_257 = tpu.memref_slice %arg4[%dma_start3A_253, %dma_start3A_254, %add3A_247, %dma_start3A_255, %dma_start3A_256] : memref<50x4x128x8x128xf32, #tpu.memory_space<hbm>> -> memref<5x4x1x8x128xf32, #tpu.memory_space<hbm>>
    tpu.enqueue_dma source(%arg9 : memref<5x4x1x8x128xf32, #tpu.memory_space<vmem>>) target(%dma_start3A_257 : memref<5x4x1x8x128xf32, #tpu.memory_space<hbm>>) target_semaphore(%arg15 : memref<!tpu.dma_semaphore, #tpu.memory_space<semaphore_mem>>)
    %mul3A_258 = arith.constant 4 : i32
    %mul3A_259 = arith.muli %add3A, %mul3A_258 : i32
    %add3A_260 = arith.constant 0 : i32
    %add3A_261 = arith.addi %mul3A_259, %add3A_260 : i32
    %mul3A_262 = arith.constant 128 : i32
    %mul3A_263 = arith.muli %add3A_261, %mul3A_262 : i32
    %dma_start3A_264 = arith.constant 10 : i32
    %dma_start3A_265 = tpu.memref_slice %arg2[%dma_start3A_264, %mul3A_263] : memref<50x16384xi32, #tpu.memory_space<hbm>> -> memref<5x128xi32, #tpu.memory_space<hbm>>
    %dma_start3A_266 = arith.constant 10 : i32
    %dma_start3A_267 = tpu.memref_slice %arg2[%dma_start3A_266, %mul3A_263] : memref<50x16384xi32, #tpu.memory_space<hbm>> -> memref<5x128xi32, #tpu.memory_space<hbm>>
    tpu.enqueue_dma source(%dma_start3A_267 : memref<5x128xi32, #tpu.memory_space<hbm>>) target(%arg5 : memref<5x128xi32, #tpu.memory_space<vmem>>) target_semaphore(%arg11 : memref<!tpu.dma_semaphore, #tpu.memory_space<semaphore_mem>>)
    %dma_wait3A_268 = arith.constant 0 : i32
    %dma_wait3A_269 = arith.constant 0 : i32
    %dma_wait3A_270 = tpu.memref_slice %arg2[%dma_wait3A_268, %dma_wait3A_269] : memref<50x16384xi32, #tpu.memory_space<hbm>> -> memref<5x128xi32, #tpu.memory_space<hbm>>
    %dma_wait3A_271 = arith.constant 0 : i32
    %dma_wait3A_272 = arith.constant 0 : i32
    %dma_wait3A_273 = tpu.memref_slice %arg2[%dma_wait3A_271, %dma_wait3A_272] : memref<50x16384xi32, #tpu.memory_space<hbm>> -> memref<5x128xi32, #tpu.memory_space<hbm>>
    tpu.wait_dma2 semaphore(%arg11 : memref<!tpu.dma_semaphore, #tpu.memory_space<semaphore_mem>>) src(%dma_wait3A_273 : memref<5x128xi32, #tpu.memory_space<hbm>>) dst(%arg5 : memref<5x128xi32, #tpu.memory_space<vmem>>)
    %dma_start3A_274 = arith.constant 0 : i32
    %dma_start3A_275 = arith.constant 0 : i32
    %dma_start3A_276 = arith.constant 0 : i32
    %dma_start3A_277 = tpu.memref_slice %arg7[%dma_start3A_275, %dma_start3A_276] : memref<640x32xf32, #tpu.memory_space<vmem>> -> memref<128x32xf32, #tpu.memory_space<vmem>>
    %dma_start3A_278 = arith.constant 0 : i32
    %dma_start3A_279 = tpu.memref_slice %arg5[%dma_start3A_274, %dma_start3A_278] : memref<5x128xi32, #tpu.memory_space<vmem>> -> memref<1x128xi32, #tpu.memory_space<vmem>>
    %dma_start3A_280 = tpu.memref_squeeze %dma_start3A_279 : memref<1x128xi32, #tpu.memory_space<vmem>> -> memref<128xi32, #tpu.memory_space<vmem>>
    %dma_start3A_281 = arith.constant 0 : i32
    %dma_start3A_282 = arith.constant 0 : i32
    %dma_start3A_283 = tpu.memref_slice %arg3[%dma_start3A_281, %dma_start3A_282] : memref<1000000x32xf32, #tpu.memory_space<hbm>> -> memref<1000000x32xf32, #tpu.memory_space<hbm>>
    tpu.enqueue_indirect_dma source(%dma_start3A_283 : memref<1000000x32xf32, #tpu.memory_space<hbm>>) target(%dma_start3A_277 : memref<128x32xf32, #tpu.memory_space<vmem>>) offsets(%dma_start3A_280 : memref<128xi32, #tpu.memory_space<vmem>>) semaphore(%arg13 : memref<!tpu.dma_semaphore, #tpu.memory_space<semaphore_mem>>)
    %dma_start3A_284 = arith.constant 1 : i32
    %dma_start3A_285 = arith.constant 128 : i32
    %dma_start3A_286 = arith.constant 0 : i32
    %dma_start3A_287 = tpu.memref_slice %arg7[%dma_start3A_285, %dma_start3A_286] : memref<640x32xf32, #tpu.memory_space<vmem>> -> memref<128x32xf32, #tpu.memory_space<vmem>>
    %dma_start3A_288 = arith.constant 0 : i32
    %dma_start3A_289 = tpu.memref_slice %arg5[%dma_start3A_284, %dma_start3A_288] : memref<5x128xi32, #tpu.memory_space<vmem>> -> memref<1x128xi32, #tpu.memory_space<vmem>>
    %dma_start3A_290 = tpu.memref_squeeze %dma_start3A_289 : memref<1x128xi32, #tpu.memory_space<vmem>> -> memref<128xi32, #tpu.memory_space<vmem>>
    %dma_start3A_291 = arith.constant 0 : i32
    %dma_start3A_292 = arith.constant 0 : i32
    %dma_start3A_293 = tpu.memref_slice %arg3[%dma_start3A_291, %dma_start3A_292] : memref<1000000x32xf32, #tpu.memory_space<hbm>> -> memref<1000000x32xf32, #tpu.memory_space<hbm>>
    tpu.enqueue_indirect_dma source(%dma_start3A_293 : memref<1000000x32xf32, #tpu.memory_space<hbm>>) target(%dma_start3A_287 : memref<128x32xf32, #tpu.memory_space<vmem>>) offsets(%dma_start3A_290 : memref<128xi32, #tpu.memory_space<vmem>>) semaphore(%arg13 : memref<!tpu.dma_semaphore, #tpu.memory_space<semaphore_mem>>)
    %dma_start3A_294 = arith.constant 2 : i32
    %dma_start3A_295 = arith.constant 256 : i32
    %dma_start3A_296 = arith.constant 0 : i32
    %dma_start3A_297 = tpu.memref_slice %arg7[%dma_start3A_295, %dma_start3A_296] : memref<640x32xf32, #tpu.memory_space<vmem>> -> memref<128x32xf32, #tpu.memory_space<vmem>>
    %dma_start3A_298 = arith.constant 0 : i32
    %dma_start3A_299 = tpu.memref_slice %arg5[%dma_start3A_294, %dma_start3A_298] : memref<5x128xi32, #tpu.memory_space<vmem>> -> memref<1x128xi32, #tpu.memory_space<vmem>>
    %dma_start3A_300 = tpu.memref_squeeze %dma_start3A_299 : memref<1x128xi32, #tpu.memory_space<vmem>> -> memref<128xi32, #tpu.memory_space<vmem>>
    %dma_start3A_301 = arith.constant 0 : i32
    %dma_start3A_302 = arith.constant 0 : i32
    %dma_start3A_303 = tpu.memref_slice %arg3[%dma_start3A_301, %dma_start3A_302] : memref<1000000x32xf32, #tpu.memory_space<hbm>> -> memref<1000000x32xf32, #tpu.memory_space<hbm>>
    tpu.enqueue_indirect_dma source(%dma_start3A_303 : memref<1000000x32xf32, #tpu.memory_space<hbm>>) target(%dma_start3A_297 : memref<128x32xf32, #tpu.memory_space<vmem>>) offsets(%dma_start3A_300 : memref<128xi32, #tpu.memory_space<vmem>>) semaphore(%arg13 : memref<!tpu.dma_semaphore, #tpu.memory_space<semaphore_mem>>)
    %dma_start3A_304 = arith.constant 3 : i32
    %dma_start3A_305 = arith.constant 384 : i32
    %dma_start3A_306 = arith.constant 0 : i32
    %dma_start3A_307 = tpu.memref_slice %arg7[%dma_start3A_305, %dma_start3A_306] : memref<640x32xf32, #tpu.memory_space<vmem>> -> memref<128x32xf32, #tpu.memory_space<vmem>>
    %dma_start3A_308 = arith.constant 0 : i32
    %dma_start3A_309 = tpu.memref_slice %arg5[%dma_start3A_304, %dma_start3A_308] : memref<5x128xi32, #tpu.memory_space<vmem>> -> memref<1x128xi32, #tpu.memory_space<vmem>>
    %dma_start3A_310 = tpu.memref_squeeze %dma_start3A_309 : memref<1x128xi32, #tpu.memory_space<vmem>> -> memref<128xi32, #tpu.memory_space<vmem>>
    %dma_start3A_311 = arith.constant 0 : i32
    %dma_start3A_312 = arith.constant 0 : i32
    %dma_start3A_313 = tpu.memref_slice %arg3[%dma_start3A_311, %dma_start3A_312] : memref<1000000x32xf32, #tpu.memory_space<hbm>> -> memref<1000000x32xf32, #tpu.memory_space<hbm>>
    tpu.enqueue_indirect_dma source(%dma_start3A_313 : memref<1000000x32xf32, #tpu.memory_space<hbm>>) target(%dma_start3A_307 : memref<128x32xf32, #tpu.memory_space<vmem>>) offsets(%dma_start3A_310 : memref<128xi32, #tpu.memory_space<vmem>>) semaphore(%arg13 : memref<!tpu.dma_semaphore, #tpu.memory_space<semaphore_mem>>)
    %dma_start3A_314 = arith.constant 4 : i32
    %dma_start3A_315 = arith.constant 512 : i32
    %dma_start3A_316 = arith.constant 0 : i32
    %dma_start3A_317 = tpu.memref_slice %arg7[%dma_start3A_315, %dma_start3A_316] : memref<640x32xf32, #tpu.memory_space<vmem>> -> memref<128x32xf32, #tpu.memory_space<vmem>>
    %dma_start3A_318 = arith.constant 0 : i32
    %dma_start3A_319 = tpu.memref_slice %arg5[%dma_start3A_314, %dma_start3A_318] : memref<5x128xi32, #tpu.memory_space<vmem>> -> memref<1x128xi32, #tpu.memory_space<vmem>>
    %dma_start3A_320 = tpu.memref_squeeze %dma_start3A_319 : memref<1x128xi32, #tpu.memory_space<vmem>> -> memref<128xi32, #tpu.memory_space<vmem>>
    %dma_start3A_321 = arith.constant 0 : i32
    %dma_start3A_322 = arith.constant 0 : i32
    %dma_start3A_323 = tpu.memref_slice %arg3[%dma_start3A_321, %dma_start3A_322] : memref<1000000x32xf32, #tpu.memory_space<hbm>> -> memref<1000000x32xf32, #tpu.memory_space<hbm>>
    tpu.enqueue_indirect_dma source(%dma_start3A_323 : memref<1000000x32xf32, #tpu.memory_space<hbm>>) target(%dma_start3A_317 : memref<128x32xf32, #tpu.memory_space<vmem>>) offsets(%dma_start3A_320 : memref<128xi32, #tpu.memory_space<vmem>>) semaphore(%arg13 : memref<!tpu.dma_semaphore, #tpu.memory_space<semaphore_mem>>)
    %dma_wait3A_324 = arith.constant 0 : i32
    %dma_wait3A_325 = arith.constant 0 : i32
    %dma_wait3A_326 = arith.constant 0 : i32
    %dma_wait3A_327 = tpu.memref_slice %arg8[%dma_wait3A_325, %dma_wait3A_326] : memref<640x32xf32, #tpu.memory_space<vmem>> -> memref<128x32xf32, #tpu.memory_space<vmem>>
    %dma_wait3A_328 = arith.constant 0 : i32
    %dma_wait3A_329 = tpu.memref_slice %arg6[%dma_wait3A_324, %dma_wait3A_328] : memref<5x128xi32, #tpu.memory_space<vmem>> -> memref<1x128xi32, #tpu.memory_space<vmem>>
    %dma_wait3A_330 = tpu.memref_squeeze %dma_wait3A_329 : memref<1x128xi32, #tpu.memory_space<vmem>> -> memref<128xi32, #tpu.memory_space<vmem>>
    %dma_wait3A_331 = arith.constant 0 : i32
    %dma_wait3A_332 = arith.constant 0 : i32
    %dma_wait3A_333 = tpu.memref_slice %arg3[%dma_wait3A_331, %dma_wait3A_332] : memref<1000000x32xf32, #tpu.memory_space<hbm>> -> memref<1000000x32xf32, #tpu.memory_space<hbm>>
    tpu.wait_indirect_dma semaphore(%arg14 : memref<!tpu.dma_semaphore, #tpu.memory_space<semaphore_mem>>) src(%dma_wait3A_333 : memref<1000000x32xf32, #tpu.memory_space<hbm>>) dst(%dma_wait3A_327 : memref<128x32xf32, #tpu.memory_space<vmem>>)
    %dma_wait3A_334 = arith.constant 1 : i32
    %dma_wait3A_335 = arith.constant 128 : i32
    %dma_wait3A_336 = arith.constant 0 : i32
    %dma_wait3A_337 = tpu.memref_slice %arg8[%dma_wait3A_335, %dma_wait3A_336] : memref<640x32xf32, #tpu.memory_space<vmem>> -> memref<128x32xf32, #tpu.memory_space<vmem>>
    %dma_wait3A_338 = arith.constant 0 : i32
    %dma_wait3A_339 = tpu.memref_slice %arg6[%dma_wait3A_334, %dma_wait3A_338] : memref<5x128xi32, #tpu.memory_space<vmem>> -> memref<1x128xi32, #tpu.memory_space<vmem>>
    %dma_wait3A_340 = tpu.memref_squeeze %dma_wait3A_339 : memref<1x128xi32, #tpu.memory_space<vmem>> -> memref<128xi32, #tpu.memory_space<vmem>>
    %dma_wait3A_341 = arith.constant 0 : i32
    %dma_wait3A_342 = arith.constant 0 : i32
    %dma_wait3A_343 = tpu.memref_slice %arg3[%dma_wait3A_341, %dma_wait3A_342] : memref<1000000x32xf32, #tpu.memory_space<hbm>> -> memref<1000000x32xf32, #tpu.memory_space<hbm>>
    tpu.wait_indirect_dma semaphore(%arg14 : memref<!tpu.dma_semaphore, #tpu.memory_space<semaphore_mem>>) src(%dma_wait3A_343 : memref<1000000x32xf32, #tpu.memory_space<hbm>>) dst(%dma_wait3A_337 : memref<128x32xf32, #tpu.memory_space<vmem>>)
    %dma_wait3A_344 = arith.constant 2 : i32
    %dma_wait3A_345 = arith.constant 256 : i32
    %dma_wait3A_346 = arith.constant 0 : i32
    %dma_wait3A_347 = tpu.memref_slice %arg8[%dma_wait3A_345, %dma_wait3A_346] : memref<640x32xf32, #tpu.memory_space<vmem>> -> memref<128x32xf32, #tpu.memory_space<vmem>>
    %dma_wait3A_348 = arith.constant 0 : i32
    %dma_wait3A_349 = tpu.memref_slice %arg6[%dma_wait3A_344, %dma_wait3A_348] : memref<5x128xi32, #tpu.memory_space<vmem>> -> memref<1x128xi32, #tpu.memory_space<vmem>>
    %dma_wait3A_350 = tpu.memref_squeeze %dma_wait3A_349 : memref<1x128xi32, #tpu.memory_space<vmem>> -> memref<128xi32, #tpu.memory_space<vmem>>
    %dma_wait3A_351 = arith.constant 0 : i32
    %dma_wait3A_352 = arith.constant 0 : i32
    %dma_wait3A_353 = tpu.memref_slice %arg3[%dma_wait3A_351, %dma_wait3A_352] : memref<1000000x32xf32, #tpu.memory_space<hbm>> -> memref<1000000x32xf32, #tpu.memory_space<hbm>>
    tpu.wait_indirect_dma semaphore(%arg14 : memref<!tpu.dma_semaphore, #tpu.memory_space<semaphore_mem>>) src(%dma_wait3A_353 : memref<1000000x32xf32, #tpu.memory_space<hbm>>) dst(%dma_wait3A_347 : memref<128x32xf32, #tpu.memory_space<vmem>>)
    %dma_wait3A_354 = arith.constant 3 : i32
    %dma_wait3A_355 = arith.constant 384 : i32
    %dma_wait3A_356 = arith.constant 0 : i32
    %dma_wait3A_357 = tpu.memref_slice %arg8[%dma_wait3A_355, %dma_wait3A_356] : memref<640x32xf32, #tpu.memory_space<vmem>> -> memref<128x32xf32, #tpu.memory_space<vmem>>
    %dma_wait3A_358 = arith.constant 0 : i32
    %dma_wait3A_359 = tpu.memref_slice %arg6[%dma_wait3A_354, %dma_wait3A_358] : memref<5x128xi32, #tpu.memory_space<vmem>> -> memref<1x128xi32, #tpu.memory_space<vmem>>
    %dma_wait3A_360 = tpu.memref_squeeze %dma_wait3A_359 : memref<1x128xi32, #tpu.memory_space<vmem>> -> memref<128xi32, #tpu.memory_space<vmem>>
    %dma_wait3A_361 = arith.constant 0 : i32
    %dma_wait3A_362 = arith.constant 0 : i32
    %dma_wait3A_363 = tpu.memref_slice %arg3[%dma_wait3A_361, %dma_wait3A_362] : memref<1000000x32xf32, #tpu.memory_space<hbm>> -> memref<1000000x32xf32, #tpu.memory_space<hbm>>
    tpu.wait_indirect_dma semaphore(%arg14 : memref<!tpu.dma_semaphore, #tpu.memory_space<semaphore_mem>>) src(%dma_wait3A_363 : memref<1000000x32xf32, #tpu.memory_space<hbm>>) dst(%dma_wait3A_357 : memref<128x32xf32, #tpu.memory_space<vmem>>)
    %dma_wait3A_364 = arith.constant 4 : i32
    %dma_wait3A_365 = arith.constant 512 : i32
    %dma_wait3A_366 = arith.constant 0 : i32
    %dma_wait3A_367 = tpu.memref_slice %arg8[%dma_wait3A_365, %dma_wait3A_366] : memref<640x32xf32, #tpu.memory_space<vmem>> -> memref<128x32xf32, #tpu.memory_space<vmem>>
    %dma_wait3A_368 = arith.constant 0 : i32
    %dma_wait3A_369 = tpu.memref_slice %arg6[%dma_wait3A_364, %dma_wait3A_368] : memref<5x128xi32, #tpu.memory_space<vmem>> -> memref<1x128xi32, #tpu.memory_space<vmem>>
    %dma_wait3A_370 = tpu.memref_squeeze %dma_wait3A_369 : memref<1x128xi32, #tpu.memory_space<vmem>> -> memref<128xi32, #tpu.memory_space<vmem>>
    %dma_wait3A_371 = arith.constant 0 : i32
    %dma_wait3A_372 = arith.constant 0 : i32
    %dma_wait3A_373 = tpu.memref_slice %arg3[%dma_wait3A_371, %dma_wait3A_372] : memref<1000000x32xf32, #tpu.memory_space<hbm>> -> memref<1000000x32xf32, #tpu.memory_space<hbm>>
    tpu.wait_indirect_dma semaphore(%arg14 : memref<!tpu.dma_semaphore, #tpu.memory_space<semaphore_mem>>) src(%dma_wait3A_373 : memref<1000000x32xf32, #tpu.memory_space<hbm>>) dst(%dma_wait3A_367 : memref<128x32xf32, #tpu.memory_space<vmem>>)
    %mul3A_374 = arith.constant 4 : i32
    %mul3A_375 = arith.muli %add3A, %mul3A_374 : i32
    %add3A_376 = arith.constant 0 : i32
    %add3A_377 = arith.addi %mul3A_375, %add3A_376 : i32
    %dma_start3A_378 = arith.constant 5 : i32
    %dma_start3A_379 = arith.constant 0 : i32
    %dma_start3A_380 = arith.constant 0 : i32
    %dma_start3A_381 = arith.constant 0 : i32
    %dma_start3A_382 = tpu.memref_slice %arg4[%dma_start3A_378, %dma_start3A_379, %add3A_377, %dma_start3A_380, %dma_start3A_381] : memref<50x4x128x8x128xf32, #tpu.memory_space<hbm>> -> memref<5x4x1x8x128xf32, #tpu.memory_space<hbm>>
    %dma_start3A_383 = arith.constant 5 : i32
    %dma_start3A_384 = arith.constant 0 : i32
    %dma_start3A_385 = arith.constant 0 : i32
    %dma_start3A_386 = arith.constant 0 : i32
    %dma_start3A_387 = tpu.memref_slice %arg4[%dma_start3A_383, %dma_start3A_384, %add3A_377, %dma_start3A_385, %dma_start3A_386] : memref<50x4x128x8x128xf32, #tpu.memory_space<hbm>> -> memref<5x4x1x8x128xf32, #tpu.memory_space<hbm>>
    tpu.enqueue_dma source(%arg10 : memref<5x4x1x8x128xf32, #tpu.memory_space<vmem>>) target(%dma_start3A_387 : memref<5x4x1x8x128xf32, #tpu.memory_space<hbm>>) target_semaphore(%arg16 : memref<!tpu.dma_semaphore, #tpu.memory_space<semaphore_mem>>)
    %mul3A_388 = arith.constant 4 : i32
    %mul3A_389 = arith.muli %add3A, %mul3A_388 : i32
    %add3A_390 = arith.constant 0 : i32
    %add3A_391 = arith.addi %mul3A_389, %add3A_390 : i32
    %mul3A_392 = arith.constant 128 : i32
    %mul3A_393 = arith.muli %add3A_391, %mul3A_392 : i32
    %dma_start3A_394 = arith.constant 15 : i32
    %dma_start3A_395 = tpu.memref_slice %arg2[%dma_start3A_394, %mul3A_393] : memref<50x16384xi32, #tpu.memory_space<hbm>> -> memref<5x128xi32, #tpu.memory_space<hbm>>
    %dma_start3A_396 = arith.constant 15 : i32
    %dma_start3A_397 = tpu.memref_slice %arg2[%dma_start3A_396, %mul3A_393] : memref<50x16384xi32, #tpu.memory_space<hbm>> -> memref<5x128xi32, #tpu.memory_space<hbm>>
    tpu.enqueue_dma source(%dma_start3A_397 : memref<5x128xi32, #tpu.memory_space<hbm>>) target(%arg6 : memref<5x128xi32, #tpu.memory_space<vmem>>) target_semaphore(%arg12 : memref<!tpu.dma_semaphore, #tpu.memory_space<semaphore_mem>>)
    %dma_wait3A_398 = arith.constant 0 : i32
    %dma_wait3A_399 = arith.constant 0 : i32
    %dma_wait3A_400 = tpu.memref_slice %arg2[%dma_wait3A_398, %dma_wait3A_399] : memref<50x16384xi32, #tpu.memory_space<hbm>> -> memref<5x128xi32, #tpu.memory_space<hbm>>
    %dma_wait3A_401 = arith.constant 0 : i32
    %dma_wait3A_402 = arith.constant 0 : i32
    %dma_wait3A_403 = tpu.memref_slice %arg2[%dma_wait3A_401, %dma_wait3A_402] : memref<50x16384xi32, #tpu.memory_space<hbm>> -> memref<5x128xi32, #tpu.memory_space<hbm>>
    tpu.wait_dma2 semaphore(%arg12 : memref<!tpu.dma_semaphore, #tpu.memory_space<semaphore_mem>>) src(%dma_wait3A_403 : memref<5x128xi32, #tpu.memory_space<hbm>>) dst(%arg6 : memref<5x128xi32, #tpu.memory_space<vmem>>)
    %dma_start3A_404 = arith.constant 0 : i32
    %dma_start3A_405 = arith.constant 0 : i32
    %dma_start3A_406 = arith.constant 0 : i32
    %dma_start3A_407 = tpu.memref_slice %arg8[%dma_start3A_405, %dma_start3A_406] : memref<640x32xf32, #tpu.memory_space<vmem>> -> memref<128x32xf32, #tpu.memory_space<vmem>>
    %dma_start3A_408 = arith.constant 0 : i32
    %dma_start3A_409 = tpu.memref_slice %arg6[%dma_start3A_404, %dma_start3A_408] : memref<5x128xi32, #tpu.memory_space<vmem>> -> memref<1x128xi32, #tpu.memory_space<vmem>>
    %dma_start3A_410 = tpu.memref_squeeze %dma_start3A_409 : memref<1x128xi32, #tpu.memory_space<vmem>> -> memref<128xi32, #tpu.memory_space<vmem>>
    %dma_start3A_411 = arith.constant 0 : i32
    %dma_start3A_412 = arith.constant 0 : i32
    %dma_start3A_413 = tpu.memref_slice %arg3[%dma_start3A_411, %dma_start3A_412] : memref<1000000x32xf32, #tpu.memory_space<hbm>> -> memref<1000000x32xf32, #tpu.memory_space<hbm>>
    tpu.enqueue_indirect_dma source(%dma_start3A_413 : memref<1000000x32xf32, #tpu.memory_space<hbm>>) target(%dma_start3A_407 : memref<128x32xf32, #tpu.memory_space<vmem>>) offsets(%dma_start3A_410 : memref<128xi32, #tpu.memory_space<vmem>>) semaphore(%arg14 : memref<!tpu.dma_semaphore, #tpu.memory_space<semaphore_mem>>)
    %dma_start3A_414 = arith.constant 1 : i32
    %dma_start3A_415 = arith.constant 128 : i32
    %dma_start3A_416 = arith.constant 0 : i32
    %dma_start3A_417 = tpu.memref_slice %arg8[%dma_start3A_415, %dma_start3A_416] : memref<640x32xf32, #tpu.memory_space<vmem>> -> memref<128x32xf32, #tpu.memory_space<vmem>>
    %dma_start3A_418 = arith.constant 0 : i32
    %dma_start3A_419 = tpu.memref_slice %arg6[%dma_start3A_414, %dma_start3A_418] : memref<5x128xi32, #tpu.memory_space<vmem>> -> memref<1x128xi32, #tpu.memory_space<vmem>>
    %dma_start3A_420 = tpu.memref_squeeze %dma_start3A_419 : memref<1x128xi32, #tpu.memory_space<vmem>> -> memref<128xi32, #tpu.memory_space<vmem>>
    %dma_start3A_421 = arith.constant 0 : i32
    %dma_start3A_422 = arith.constant 0 : i32
    %dma_start3A_423 = tpu.memref_slice %arg3[%dma_start3A_421, %dma_start3A_422] : memref<1000000x32xf32, #tpu.memory_space<hbm>> -> memref<1000000x32xf32, #tpu.memory_space<hbm>>
    tpu.enqueue_indirect_dma source(%dma_start3A_423 : memref<1000000x32xf32, #tpu.memory_space<hbm>>) target(%dma_start3A_417 : memref<128x32xf32, #tpu.memory_space<vmem>>) offsets(%dma_start3A_420 : memref<128xi32, #tpu.memory_space<vmem>>) semaphore(%arg14 : memref<!tpu.dma_semaphore, #tpu.memory_space<semaphore_mem>>)
    %dma_start3A_424 = arith.constant 2 : i32
    %dma_start3A_425 = arith.constant 256 : i32
    %dma_start3A_426 = arith.constant 0 : i32
    %dma_start3A_427 = tpu.memref_slice %arg8[%dma_start3A_425, %dma_start3A_426] : memref<640x32xf32, #tpu.memory_space<vmem>> -> memref<128x32xf32, #tpu.memory_space<vmem>>
    %dma_start3A_428 = arith.constant 0 : i32
    %dma_start3A_429 = tpu.memref_slice %arg6[%dma_start3A_424, %dma_start3A_428] : memref<5x128xi32, #tpu.memory_space<vmem>> -> memref<1x128xi32, #tpu.memory_space<vmem>>
    %dma_start3A_430 = tpu.memref_squeeze %dma_start3A_429 : memref<1x128xi32, #tpu.memory_space<vmem>> -> memref<128xi32, #tpu.memory_space<vmem>>
    %dma_start3A_431 = arith.constant 0 : i32
    %dma_start3A_432 = arith.constant 0 : i32
    %dma_start3A_433 = tpu.memref_slice %arg3[%dma_start3A_431, %dma_start3A_432] : memref<1000000x32xf32, #tpu.memory_space<hbm>> -> memref<1000000x32xf32, #tpu.memory_space<hbm>>
    tpu.enqueue_indirect_dma source(%dma_start3A_433 : memref<1000000x32xf32, #tpu.memory_space<hbm>>) target(%dma_start3A_427 : memref<128x32xf32, #tpu.memory_space<vmem>>) offsets(%dma_start3A_430 : memref<128xi32, #tpu.memory_space<vmem>>) semaphore(%arg14 : memref<!tpu.dma_semaphore, #tpu.memory_space<semaphore_mem>>)
    %dma_start3A_434 = arith.constant 3 : i32
    %dma_start3A_435 = arith.constant 384 : i32
    %dma_start3A_436 = arith.constant 0 : i32
    %dma_start3A_437 = tpu.memref_slice %arg8[%dma_start3A_435, %dma_start3A_436] : memref<640x32xf32, #tpu.memory_space<vmem>> -> memref<128x32xf32, #tpu.memory_space<vmem>>
    %dma_start3A_438 = arith.constant 0 : i32
    %dma_start3A_439 = tpu.memref_slice %arg6[%dma_start3A_434, %dma_start3A_438] : memref<5x128xi32, #tpu.memory_space<vmem>> -> memref<1x128xi32, #tpu.memory_space<vmem>>
    %dma_start3A_440 = tpu.memref_squeeze %dma_start3A_439 : memref<1x128xi32, #tpu.memory_space<vmem>> -> memref<128xi32, #tpu.memory_space<vmem>>
    %dma_start3A_441 = arith.constant 0 : i32
    %dma_start3A_442 = arith.constant 0 : i32
    %dma_start3A_443 = tpu.memref_slice %arg3[%dma_start3A_441, %dma_start3A_442] : memref<1000000x32xf32, #tpu.memory_space<hbm>> -> memref<1000000x32xf32, #tpu.memory_space<hbm>>
    tpu.enqueue_indirect_dma source(%dma_start3A_443 : memref<1000000x32xf32, #tpu.memory_space<hbm>>) target(%dma_start3A_437 : memref<128x32xf32, #tpu.memory_space<vmem>>) offsets(%dma_start3A_440 : memref<128xi32, #tpu.memory_space<vmem>>) semaphore(%arg14 : memref<!tpu.dma_semaphore, #tpu.memory_space<semaphore_mem>>)
    %dma_start3A_444 = arith.constant 4 : i32
    %dma_start3A_445 = arith.constant 512 : i32
    %dma_start3A_446 = arith.constant 0 : i32
    %dma_start3A_447 = tpu.memref_slice %arg8[%dma_start3A_445, %dma_start3A_446] : memref<640x32xf32, #tpu.memory_space<vmem>> -> memref<128x32xf32, #tpu.memory_space<vmem>>
    %dma_start3A_448 = arith.constant 0 : i32
    %dma_start3A_449 = tpu.memref_slice %arg6[%dma_start3A_444, %dma_start3A_448] : memref<5x128xi32, #tpu.memory_space<vmem>> -> memref<1x128xi32, #tpu.memory_space<vmem>>
    %dma_start3A_450 = tpu.memref_squeeze %dma_start3A_449 : memref<1x128xi32, #tpu.memory_space<vmem>> -> memref<128xi32, #tpu.memory_space<vmem>>
    %dma_start3A_451 = arith.constant 0 : i32
    %dma_start3A_452 = arith.constant 0 : i32
    %dma_start3A_453 = tpu.memref_slice %arg3[%dma_start3A_451, %dma_start3A_452] : memref<1000000x32xf32, #tpu.memory_space<hbm>> -> memref<1000000x32xf32, #tpu.memory_space<hbm>>
    tpu.enqueue_indirect_dma source(%dma_start3A_453 : memref<1000000x32xf32, #tpu.memory_space<hbm>>) target(%dma_start3A_447 : memref<128x32xf32, #tpu.memory_space<vmem>>) offsets(%dma_start3A_450 : memref<128xi32, #tpu.memory_space<vmem>>) semaphore(%arg14 : memref<!tpu.dma_semaphore, #tpu.memory_space<semaphore_mem>>)
    %scan3A = arith.constant 0 : i32
    %scan3A_454 = arith.constant 1 : i32
    %scan3A_455 = arith.constant 18 : i32
    %scan3A_456 = arith.addi %scan3A_454, %scan3A_455 : i32
    %scan3A_457 = arith.constant 1 : i32
    scf.for %scan3A_635 = %scan3A_454 to %scan3A_456 step %scan3A_457  : i32 {
      %mul3A_636 = arith.constant 2 : i32
      %mul3A_637 = arith.muli %mul3A_636, %scan3A_635 : i32
      %add3A_638 = arith.constant 0 : i32
      %add3A_639 = arith.addi %mul3A_637, %add3A_638 : i32
      %dma_wait3A_640 = arith.constant 0 : i32
      %dma_wait3A_641 = arith.constant 0 : i32
      %dma_wait3A_642 = arith.constant 0 : i32
      %dma_wait3A_643 = tpu.memref_slice %arg7[%dma_wait3A_641, %dma_wait3A_642] : memref<640x32xf32, #tpu.memory_space<vmem>> -> memref<128x32xf32, #tpu.memory_space<vmem>>
      %dma_wait3A_644 = arith.constant 0 : i32
      %dma_wait3A_645 = tpu.memref_slice %arg5[%dma_wait3A_640, %dma_wait3A_644] : memref<5x128xi32, #tpu.memory_space<vmem>> -> memref<1x128xi32, #tpu.memory_space<vmem>>
      %dma_wait3A_646 = tpu.memref_squeeze %dma_wait3A_645 : memref<1x128xi32, #tpu.memory_space<vmem>> -> memref<128xi32, #tpu.memory_space<vmem>>
      %dma_wait3A_647 = arith.constant 0 : i32
      %dma_wait3A_648 = arith.constant 0 : i32
      %dma_wait3A_649 = tpu.memref_slice %arg3[%dma_wait3A_647, %dma_wait3A_648] : memref<1000000x32xf32, #tpu.memory_space<hbm>> -> memref<1000000x32xf32, #tpu.memory_space<hbm>>
      tpu.wait_indirect_dma semaphore(%arg13 : memref<!tpu.dma_semaphore, #tpu.memory_space<semaphore_mem>>) src(%dma_wait3A_649 : memref<1000000x32xf32, #tpu.memory_space<hbm>>) dst(%dma_wait3A_643 : memref<128x32xf32, #tpu.memory_space<vmem>>)
      %dma_wait3A_650 = arith.constant 1 : i32
      %dma_wait3A_651 = arith.constant 128 : i32
      %dma_wait3A_652 = arith.constant 0 : i32
      %dma_wait3A_653 = tpu.memref_slice %arg7[%dma_wait3A_651, %dma_wait3A_652] : memref<640x32xf32, #tpu.memory_space<vmem>> -> memref<128x32xf32, #tpu.memory_space<vmem>>
      %dma_wait3A_654 = arith.constant 0 : i32
      %dma_wait3A_655 = tpu.memref_slice %arg5[%dma_wait3A_650, %dma_wait3A_654] : memref<5x128xi32, #tpu.memory_space<vmem>> -> memref<1x128xi32, #tpu.memory_space<vmem>>
      %dma_wait3A_656 = tpu.memref_squeeze %dma_wait3A_655 : memref<1x128xi32, #tpu.memory_space<vmem>> -> memref<128xi32, #tpu.memory_space<vmem>>
      %dma_wait3A_657 = arith.constant 0 : i32
      %dma_wait3A_658 = arith.constant 0 : i32
      %dma_wait3A_659 = tpu.memref_slice %arg3[%dma_wait3A_657, %dma_wait3A_658] : memref<1000000x32xf32, #tpu.memory_space<hbm>> -> memref<1000000x32xf32, #tpu.memory_space<hbm>>
      tpu.wait_indirect_dma semaphore(%arg13 : memref<!tpu.dma_semaphore, #tpu.memory_space<semaphore_mem>>) src(%dma_wait3A_659 : memref<1000000x32xf32, #tpu.memory_space<hbm>>) dst(%dma_wait3A_653 : memref<128x32xf32, #tpu.memory_space<vmem>>)
      %dma_wait3A_660 = arith.constant 2 : i32
      %dma_wait3A_661 = arith.constant 256 : i32
      %dma_wait3A_662 = arith.constant 0 : i32
      %dma_wait3A_663 = tpu.memref_slice %arg7[%dma_wait3A_661, %dma_wait3A_662] : memref<640x32xf32, #tpu.memory_space<vmem>> -> memref<128x32xf32, #tpu.memory_space<vmem>>
      %dma_wait3A_664 = arith.constant 0 : i32
      %dma_wait3A_665 = tpu.memref_slice %arg5[%dma_wait3A_660, %dma_wait3A_664] : memref<5x128xi32, #tpu.memory_space<vmem>> -> memref<1x128xi32, #tpu.memory_space<vmem>>
      %dma_wait3A_666 = tpu.memref_squeeze %dma_wait3A_665 : memref<1x128xi32, #tpu.memory_space<vmem>> -> memref<128xi32, #tpu.memory_space<vmem>>
      %dma_wait3A_667 = arith.constant 0 : i32
      %dma_wait3A_668 = arith.constant 0 : i32
      %dma_wait3A_669 = tpu.memref_slice %arg3[%dma_wait3A_667, %dma_wait3A_668] : memref<1000000x32xf32, #tpu.memory_space<hbm>> -> memref<1000000x32xf32, #tpu.memory_space<hbm>>
      tpu.wait_indirect_dma semaphore(%arg13 : memref<!tpu.dma_semaphore, #tpu.memory_space<semaphore_mem>>) src(%dma_wait3A_669 : memref<1000000x32xf32, #tpu.memory_space<hbm>>) dst(%dma_wait3A_663 : memref<128x32xf32, #tpu.memory_space<vmem>>)
      %dma_wait3A_670 = arith.constant 3 : i32
      %dma_wait3A_671 = arith.constant 384 : i32
      %dma_wait3A_672 = arith.constant 0 : i32
      %dma_wait3A_673 = tpu.memref_slice %arg7[%dma_wait3A_671, %dma_wait3A_672] : memref<640x32xf32, #tpu.memory_space<vmem>> -> memref<128x32xf32, #tpu.memory_space<vmem>>
      %dma_wait3A_674 = arith.constant 0 : i32
      %dma_wait3A_675 = tpu.memref_slice %arg5[%dma_wait3A_670, %dma_wait3A_674] : memref<5x128xi32, #tpu.memory_space<vmem>> -> memref<1x128xi32, #tpu.memory_space<vmem>>
      %dma_wait3A_676 = tpu.memref_squeeze %dma_wait3A_675 : memref<1x128xi32, #tpu.memory_space<vmem>> -> memref<128xi32, #tpu.memory_space<vmem>>
      %dma_wait3A_677 = arith.constant 0 : i32
      %dma_wait3A_678 = arith.constant 0 : i32
      %dma_wait3A_679 = tpu.memref_slice %arg3[%dma_wait3A_677, %dma_wait3A_678] : memref<1000000x32xf32, #tpu.memory_space<hbm>> -> memref<1000000x32xf32, #tpu.memory_space<hbm>>
      tpu.wait_indirect_dma semaphore(%arg13 : memref<!tpu.dma_semaphore, #tpu.memory_space<semaphore_mem>>) src(%dma_wait3A_679 : memref<1000000x32xf32, #tpu.memory_space<hbm>>) dst(%dma_wait3A_673 : memref<128x32xf32, #tpu.memory_space<vmem>>)
      %dma_wait3A_680 = arith.constant 4 : i32
      %dma_wait3A_681 = arith.constant 512 : i32
      %dma_wait3A_682 = arith.constant 0 : i32
      %dma_wait3A_683 = tpu.memref_slice %arg7[%dma_wait3A_681, %dma_wait3A_682] : memref<640x32xf32, #tpu.memory_space<vmem>> -> memref<128x32xf32, #tpu.memory_space<vmem>>
      %dma_wait3A_684 = arith.constant 0 : i32
      %dma_wait3A_685 = tpu.memref_slice %arg5[%dma_wait3A_680, %dma_wait3A_684] : memref<5x128xi32, #tpu.memory_space<vmem>> -> memref<1x128xi32, #tpu.memory_space<vmem>>
      %dma_wait3A_686 = tpu.memref_squeeze %dma_wait3A_685 : memref<1x128xi32, #tpu.memory_space<vmem>> -> memref<128xi32, #tpu.memory_space<vmem>>
      %dma_wait3A_687 = arith.constant 0 : i32
      %dma_wait3A_688 = arith.constant 0 : i32
      %dma_wait3A_689 = tpu.memref_slice %arg3[%dma_wait3A_687, %dma_wait3A_688] : memref<1000000x32xf32, #tpu.memory_space<hbm>> -> memref<1000000x32xf32, #tpu.memory_space<hbm>>
      tpu.wait_indirect_dma semaphore(%arg13 : memref<!tpu.dma_semaphore, #tpu.memory_space<semaphore_mem>>) src(%dma_wait3A_689 : memref<1000000x32xf32, #tpu.memory_space<hbm>>) dst(%dma_wait3A_683 : memref<128x32xf32, #tpu.memory_space<vmem>>)
      %dma_wait3A_690 = arith.constant 0 : i32
      %dma_wait3A_691 = arith.constant 0 : i32
      %dma_wait3A_692 = arith.constant 0 : i32
      %dma_wait3A_693 = arith.constant 0 : i32
      %dma_wait3A_694 = arith.constant 0 : i32
      %dma_wait3A_695 = tpu.memref_slice %arg4[%dma_wait3A_690, %dma_wait3A_691, %dma_wait3A_692, %dma_wait3A_693, %dma_wait3A_694] : memref<50x4x128x8x128xf32, #tpu.memory_space<hbm>> -> memref<5x4x1x8x128xf32, #tpu.memory_space<hbm>>
      %dma_wait3A_696 = arith.constant 0 : i32
      %dma_wait3A_697 = arith.constant 0 : i32
      %dma_wait3A_698 = arith.constant 0 : i32
      %dma_wait3A_699 = arith.constant 0 : i32
      %dma_wait3A_700 = arith.constant 0 : i32
      %dma_wait3A_701 = tpu.memref_slice %arg4[%dma_wait3A_696, %dma_wait3A_697, %dma_wait3A_698, %dma_wait3A_699, %dma_wait3A_700] : memref<50x4x128x8x128xf32, #tpu.memory_space<hbm>> -> memref<5x4x1x8x128xf32, #tpu.memory_space<hbm>>
      tpu.wait_dma2 semaphore(%arg15 : memref<!tpu.dma_semaphore, #tpu.memory_space<semaphore_mem>>) src(%arg9 : memref<5x4x1x8x128xf32, #tpu.memory_space<vmem>>) dst(%dma_wait3A_701 : memref<5x4x1x8x128xf32, #tpu.memory_space<hbm>>)
      %mul3A_702 = arith.constant 4 : i32
      %mul3A_703 = arith.muli %add3A, %mul3A_702 : i32
      %jit3A = arith.constant 10 : i32
      %div3A = arith.divsi %add3A_639, %jit3A : i32
      %sign3A = arith.constant 0 : i32
      %sign3A_704 = arith.cmpi sgt, %add3A_639, %sign3A : i32
      %sign3A_705 = arith.extui %sign3A_704 : i1 to i32
      %sign3A_706 = arith.constant 0 : i32
      %sign3A_707 = arith.cmpi slt, %add3A_639, %sign3A_706 : i32
      %sign3A_708 = arith.extui %sign3A_707 : i1 to i32
      %sign3A_709 = arith.subi %sign3A_705, %sign3A_708 : i32
      %sign3A_710 = arith.constant 0 : i32
      %sign3A_711 = arith.cmpi sgt, %jit3A, %sign3A_710 : i32
      %sign3A_712 = arith.extui %sign3A_711 : i1 to i32
      %sign3A_713 = arith.constant 0 : i32
      %sign3A_714 = arith.cmpi slt, %jit3A, %sign3A_713 : i32
      %sign3A_715 = arith.extui %sign3A_714 : i1 to i32
      %sign3A_716 = arith.subi %sign3A_712, %sign3A_715 : i32
      %ne3A = arith.cmpi ne, %sign3A_709, %sign3A_716 : i32
      %rem3A = arith.remsi %add3A_639, %jit3A : i32
      %ne3A_717 = arith.constant 0 : i32
      %ne3A_718 = arith.cmpi ne, %rem3A, %ne3A_717 : i32
      %and3A = arith.andi %ne3A, %ne3A_718 : i1
      %sub3A = arith.constant 1 : i32
      %sub3A_719 = arith.subi %div3A, %sub3A : i32
      %select_n3A = arith.select %and3A, %sub3A_719, %div3A : i32
      %add3A_720 = arith.addi %mul3A_703, %select_n3A : i32
      %jit3A_721 = arith.constant 10 : i32
      %eq3A = arith.constant 0 : i32
      %eq3A_722 = arith.cmpi eq, %jit3A_721, %eq3A : i32
      %jit3A_723 = arith.constant 1 : i32
      %select_n3A_724 = arith.select %eq3A_722, %jit3A_723, %jit3A_721 : i32
      %rem3A_725 = arith.remsi %add3A_639, %select_n3A_724 : i32
      %ne3A_726 = arith.constant 0 : i32
      %ne3A_727 = arith.cmpi ne, %rem3A_725, %ne3A_726 : i32
      %lt3A = arith.constant 0 : i32
      %lt3A_728 = arith.cmpi slt, %rem3A_725, %lt3A : i32
      %lt3A_729 = arith.constant 0 : i32
      %lt3A_730 = arith.cmpi slt, %select_n3A_724, %lt3A_729 : i32
      %ne3A_731 = arith.xori %lt3A_728, %lt3A_730 : i1
      %and3A_732 = arith.andi %ne3A_731, %ne3A_727 : i1
      %add3A_733 = arith.addi %rem3A_725, %select_n3A_724 : i32
      %select_n3A_734 = arith.select %and3A_732, %add3A_733, %rem3A_725 : i32
      %mul3A_735 = arith.constant 5 : i32
      %mul3A_736 = arith.muli %select_n3A_734, %mul3A_735 : i32
      %dma_start3A_737 = arith.constant 0 : i32
      %dma_start3A_738 = arith.constant 0 : i32
      %dma_start3A_739 = arith.constant 0 : i32
      %dma_start3A_740 = tpu.memref_slice %arg4[%mul3A_736, %dma_start3A_737, %add3A_720, %dma_start3A_738, %dma_start3A_739] : memref<50x4x128x8x128xf32, #tpu.memory_space<hbm>> -> memref<5x4x1x8x128xf32, #tpu.memory_space<hbm>>
      %dma_start3A_741 = arith.constant 0 : i32
      %dma_start3A_742 = arith.constant 0 : i32
      %dma_start3A_743 = arith.constant 0 : i32
      %dma_start3A_744 = tpu.memref_slice %arg4[%mul3A_736, %dma_start3A_741, %add3A_720, %dma_start3A_742, %dma_start3A_743] : memref<50x4x128x8x128xf32, #tpu.memory_space<hbm>> -> memref<5x4x1x8x128xf32, #tpu.memory_space<hbm>>
      tpu.enqueue_dma source(%arg9 : memref<5x4x1x8x128xf32, #tpu.memory_space<vmem>>) target(%dma_start3A_744 : memref<5x4x1x8x128xf32, #tpu.memory_space<hbm>>) target_semaphore(%arg15 : memref<!tpu.dma_semaphore, #tpu.memory_space<semaphore_mem>>)
      %add3A_745 = arith.constant 2 : i32
      %add3A_746 = arith.addi %add3A_639, %add3A_745 : i32
      %mul3A_747 = arith.constant 4 : i32
      %mul3A_748 = arith.muli %add3A, %mul3A_747 : i32
      %jit3A_749 = arith.constant 10 : i32
      %div3A_750 = arith.divsi %add3A_746, %jit3A_749 : i32
      %sign3A_751 = arith.constant 0 : i32
      %sign3A_752 = arith.cmpi sgt, %add3A_746, %sign3A_751 : i32
      %sign3A_753 = arith.extui %sign3A_752 : i1 to i32
      %sign3A_754 = arith.constant 0 : i32
      %sign3A_755 = arith.cmpi slt, %add3A_746, %sign3A_754 : i32
      %sign3A_756 = arith.extui %sign3A_755 : i1 to i32
      %sign3A_757 = arith.subi %sign3A_753, %sign3A_756 : i32
      %sign3A_758 = arith.constant 0 : i32
      %sign3A_759 = arith.cmpi sgt, %jit3A_749, %sign3A_758 : i32
      %sign3A_760 = arith.extui %sign3A_759 : i1 to i32
      %sign3A_761 = arith.constant 0 : i32
      %sign3A_762 = arith.cmpi slt, %jit3A_749, %sign3A_761 : i32
      %sign3A_763 = arith.extui %sign3A_762 : i1 to i32
      %sign3A_764 = arith.subi %sign3A_760, %sign3A_763 : i32
      %ne3A_765 = arith.cmpi ne, %sign3A_757, %sign3A_764 : i32
      %rem3A_766 = arith.remsi %add3A_746, %jit3A_749 : i32
      %ne3A_767 = arith.constant 0 : i32
      %ne3A_768 = arith.cmpi ne, %rem3A_766, %ne3A_767 : i32
      %and3A_769 = arith.andi %ne3A_765, %ne3A_768 : i1
      %sub3A_770 = arith.constant 1 : i32
      %sub3A_771 = arith.subi %div3A_750, %sub3A_770 : i32
      %select_n3A_772 = arith.select %and3A_769, %sub3A_771, %div3A_750 : i32
      %add3A_773 = arith.addi %mul3A_748, %select_n3A_772 : i32
      %jit3A_774 = arith.constant 10 : i32
      %eq3A_775 = arith.constant 0 : i32
      %eq3A_776 = arith.cmpi eq, %jit3A_774, %eq3A_775 : i32
      %jit3A_777 = arith.constant 1 : i32
      %select_n3A_778 = arith.select %eq3A_776, %jit3A_777, %jit3A_774 : i32
      %rem3A_779 = arith.remsi %add3A_746, %select_n3A_778 : i32
      %ne3A_780 = arith.constant 0 : i32
      %ne3A_781 = arith.cmpi ne, %rem3A_779, %ne3A_780 : i32
      %lt3A_782 = arith.constant 0 : i32
      %lt3A_783 = arith.cmpi slt, %rem3A_779, %lt3A_782 : i32
      %lt3A_784 = arith.constant 0 : i32
      %lt3A_785 = arith.cmpi slt, %select_n3A_778, %lt3A_784 : i32
      %ne3A_786 = arith.xori %lt3A_783, %lt3A_785 : i1
      %and3A_787 = arith.andi %ne3A_786, %ne3A_781 : i1
      %add3A_788 = arith.addi %rem3A_779, %select_n3A_778 : i32
      %select_n3A_789 = arith.select %and3A_787, %add3A_788, %rem3A_779 : i32
      %mul3A_790 = arith.constant 5 : i32
      %mul3A_791 = arith.muli %select_n3A_789, %mul3A_790 : i32
      %mul3A_792 = arith.constant 128 : i32
      %mul3A_793 = arith.muli %add3A_773, %mul3A_792 : i32
      %dma_start3A_794 = tpu.memref_slice %arg2[%mul3A_791, %mul3A_793] : memref<50x16384xi32, #tpu.memory_space<hbm>> -> memref<5x128xi32, #tpu.memory_space<hbm>>
      %dma_start3A_795 = tpu.memref_slice %arg2[%mul3A_791, %mul3A_793] : memref<50x16384xi32, #tpu.memory_space<hbm>> -> memref<5x128xi32, #tpu.memory_space<hbm>>
      tpu.enqueue_dma source(%dma_start3A_795 : memref<5x128xi32, #tpu.memory_space<hbm>>) target(%arg5 : memref<5x128xi32, #tpu.memory_space<vmem>>) target_semaphore(%arg11 : memref<!tpu.dma_semaphore, #tpu.memory_space<semaphore_mem>>)
      %dma_wait3A_796 = arith.constant 0 : i32
      %dma_wait3A_797 = arith.constant 0 : i32
      %dma_wait3A_798 = tpu.memref_slice %arg2[%dma_wait3A_796, %dma_wait3A_797] : memref<50x16384xi32, #tpu.memory_space<hbm>> -> memref<5x128xi32, #tpu.memory_space<hbm>>
      %dma_wait3A_799 = arith.constant 0 : i32
      %dma_wait3A_800 = arith.constant 0 : i32
      %dma_wait3A_801 = tpu.memref_slice %arg2[%dma_wait3A_799, %dma_wait3A_800] : memref<50x16384xi32, #tpu.memory_space<hbm>> -> memref<5x128xi32, #tpu.memory_space<hbm>>
      tpu.wait_dma2 semaphore(%arg11 : memref<!tpu.dma_semaphore, #tpu.memory_space<semaphore_mem>>) src(%dma_wait3A_801 : memref<5x128xi32, #tpu.memory_space<hbm>>) dst(%arg5 : memref<5x128xi32, #tpu.memory_space<vmem>>)
      %dma_start3A_802 = arith.constant 0 : i32
      %dma_start3A_803 = arith.constant 0 : i32
      %dma_start3A_804 = arith.constant 0 : i32
      %dma_start3A_805 = tpu.memref_slice %arg7[%dma_start3A_803, %dma_start3A_804] : memref<640x32xf32, #tpu.memory_space<vmem>> -> memref<128x32xf32, #tpu.memory_space<vmem>>
      %dma_start3A_806 = arith.constant 0 : i32
      %dma_start3A_807 = tpu.memref_slice %arg5[%dma_start3A_802, %dma_start3A_806] : memref<5x128xi32, #tpu.memory_space<vmem>> -> memref<1x128xi32, #tpu.memory_space<vmem>>
      %dma_start3A_808 = tpu.memref_squeeze %dma_start3A_807 : memref<1x128xi32, #tpu.memory_space<vmem>> -> memref<128xi32, #tpu.memory_space<vmem>>
      %dma_start3A_809 = arith.constant 0 : i32
      %dma_start3A_810 = arith.constant 0 : i32
      %dma_start3A_811 = tpu.memref_slice %arg3[%dma_start3A_809, %dma_start3A_810] : memref<1000000x32xf32, #tpu.memory_space<hbm>> -> memref<1000000x32xf32, #tpu.memory_space<hbm>>
      tpu.enqueue_indirect_dma source(%dma_start3A_811 : memref<1000000x32xf32, #tpu.memory_space<hbm>>) target(%dma_start3A_805 : memref<128x32xf32, #tpu.memory_space<vmem>>) offsets(%dma_start3A_808 : memref<128xi32, #tpu.memory_space<vmem>>) semaphore(%arg13 : memref<!tpu.dma_semaphore, #tpu.memory_space<semaphore_mem>>)
      %dma_start3A_812 = arith.constant 1 : i32
      %dma_start3A_813 = arith.constant 128 : i32
      %dma_start3A_814 = arith.constant 0 : i32
      %dma_start3A_815 = tpu.memref_slice %arg7[%dma_start3A_813, %dma_start3A_814] : memref<640x32xf32, #tpu.memory_space<vmem>> -> memref<128x32xf32, #tpu.memory_space<vmem>>
      %dma_start3A_816 = arith.constant 0 : i32
      %dma_start3A_817 = tpu.memref_slice %arg5[%dma_start3A_812, %dma_start3A_816] : memref<5x128xi32, #tpu.memory_space<vmem>> -> memref<1x128xi32, #tpu.memory_space<vmem>>
      %dma_start3A_818 = tpu.memref_squeeze %dma_start3A_817 : memref<1x128xi32, #tpu.memory_space<vmem>> -> memref<128xi32, #tpu.memory_space<vmem>>
      %dma_start3A_819 = arith.constant 0 : i32
      %dma_start3A_820 = arith.constant 0 : i32
      %dma_start3A_821 = tpu.memref_slice %arg3[%dma_start3A_819, %dma_start3A_820] : memref<1000000x32xf32, #tpu.memory_space<hbm>> -> memref<1000000x32xf32, #tpu.memory_space<hbm>>
      tpu.enqueue_indirect_dma source(%dma_start3A_821 : memref<1000000x32xf32, #tpu.memory_space<hbm>>) target(%dma_start3A_815 : memref<128x32xf32, #tpu.memory_space<vmem>>) offsets(%dma_start3A_818 : memref<128xi32, #tpu.memory_space<vmem>>) semaphore(%arg13 : memref<!tpu.dma_semaphore, #tpu.memory_space<semaphore_mem>>)
      %dma_start3A_822 = arith.constant 2 : i32
      %dma_start3A_823 = arith.constant 256 : i32
      %dma_start3A_824 = arith.constant 0 : i32
      %dma_start3A_825 = tpu.memref_slice %arg7[%dma_start3A_823, %dma_start3A_824] : memref<640x32xf32, #tpu.memory_space<vmem>> -> memref<128x32xf32, #tpu.memory_space<vmem>>
      %dma_start3A_826 = arith.constant 0 : i32
      %dma_start3A_827 = tpu.memref_slice %arg5[%dma_start3A_822, %dma_start3A_826] : memref<5x128xi32, #tpu.memory_space<vmem>> -> memref<1x128xi32, #tpu.memory_space<vmem>>
      %dma_start3A_828 = tpu.memref_squeeze %dma_start3A_827 : memref<1x128xi32, #tpu.memory_space<vmem>> -> memref<128xi32, #tpu.memory_space<vmem>>
      %dma_start3A_829 = arith.constant 0 : i32
      %dma_start3A_830 = arith.constant 0 : i32
      %dma_start3A_831 = tpu.memref_slice %arg3[%dma_start3A_829, %dma_start3A_830] : memref<1000000x32xf32, #tpu.memory_space<hbm>> -> memref<1000000x32xf32, #tpu.memory_space<hbm>>
      tpu.enqueue_indirect_dma source(%dma_start3A_831 : memref<1000000x32xf32, #tpu.memory_space<hbm>>) target(%dma_start3A_825 : memref<128x32xf32, #tpu.memory_space<vmem>>) offsets(%dma_start3A_828 : memref<128xi32, #tpu.memory_space<vmem>>) semaphore(%arg13 : memref<!tpu.dma_semaphore, #tpu.memory_space<semaphore_mem>>)
      %dma_start3A_832 = arith.constant 3 : i32
      %dma_start3A_833 = arith.constant 384 : i32
      %dma_start3A_834 = arith.constant 0 : i32
      %dma_start3A_835 = tpu.memref_slice %arg7[%dma_start3A_833, %dma_start3A_834] : memref<640x32xf32, #tpu.memory_space<vmem>> -> memref<128x32xf32, #tpu.memory_space<vmem>>
      %dma_start3A_836 = arith.constant 0 : i32
      %dma_start3A_837 = tpu.memref_slice %arg5[%dma_start3A_832, %dma_start3A_836] : memref<5x128xi32, #tpu.memory_space<vmem>> -> memref<1x128xi32, #tpu.memory_space<vmem>>
      %dma_start3A_838 = tpu.memref_squeeze %dma_start3A_837 : memref<1x128xi32, #tpu.memory_space<vmem>> -> memref<128xi32, #tpu.memory_space<vmem>>
      %dma_start3A_839 = arith.constant 0 : i32
      %dma_start3A_840 = arith.constant 0 : i32
      %dma_start3A_841 = tpu.memref_slice %arg3[%dma_start3A_839, %dma_start3A_840] : memref<1000000x32xf32, #tpu.memory_space<hbm>> -> memref<1000000x32xf32, #tpu.memory_space<hbm>>
      tpu.enqueue_indirect_dma source(%dma_start3A_841 : memref<1000000x32xf32, #tpu.memory_space<hbm>>) target(%dma_start3A_835 : memref<128x32xf32, #tpu.memory_space<vmem>>) offsets(%dma_start3A_838 : memref<128xi32, #tpu.memory_space<vmem>>) semaphore(%arg13 : memref<!tpu.dma_semaphore, #tpu.memory_space<semaphore_mem>>)
      %dma_start3A_842 = arith.constant 4 : i32
      %dma_start3A_843 = arith.constant 512 : i32
      %dma_start3A_844 = arith.constant 0 : i32
      %dma_start3A_845 = tpu.memref_slice %arg7[%dma_start3A_843, %dma_start3A_844] : memref<640x32xf32, #tpu.memory_space<vmem>> -> memref<128x32xf32, #tpu.memory_space<vmem>>
      %dma_start3A_846 = arith.constant 0 : i32
      %dma_start3A_847 = tpu.memref_slice %arg5[%dma_start3A_842, %dma_start3A_846] : memref<5x128xi32, #tpu.memory_space<vmem>> -> memref<1x128xi32, #tpu.memory_space<vmem>>
      %dma_start3A_848 = tpu.memref_squeeze %dma_start3A_847 : memref<1x128xi32, #tpu.memory_space<vmem>> -> memref<128xi32, #tpu.memory_space<vmem>>
      %dma_start3A_849 = arith.constant 0 : i32
      %dma_start3A_850 = arith.constant 0 : i32
      %dma_start3A_851 = tpu.memref_slice %arg3[%dma_start3A_849, %dma_start3A_850] : memref<1000000x32xf32, #tpu.memory_space<hbm>> -> memref<1000000x32xf32, #tpu.memory_space<hbm>>
      tpu.enqueue_indirect_dma source(%dma_start3A_851 : memref<1000000x32xf32, #tpu.memory_space<hbm>>) target(%dma_start3A_845 : memref<128x32xf32, #tpu.memory_space<vmem>>) offsets(%dma_start3A_848 : memref<128xi32, #tpu.memory_space<vmem>>) semaphore(%arg13 : memref<!tpu.dma_semaphore, #tpu.memory_space<semaphore_mem>>)
      %mul3A_852 = arith.constant 2 : i32
      %mul3A_853 = arith.muli %mul3A_852, %scan3A_635 : i32
      %add3A_854 = arith.constant 1 : i32
      %add3A_855 = arith.addi %mul3A_853, %add3A_854 : i32
      %dma_wait3A_856 = arith.constant 0 : i32
      %dma_wait3A_857 = arith.constant 0 : i32
      %dma_wait3A_858 = arith.constant 0 : i32
      %dma_wait3A_859 = tpu.memref_slice %arg8[%dma_wait3A_857, %dma_wait3A_858] : memref<640x32xf32, #tpu.memory_space<vmem>> -> memref<128x32xf32, #tpu.memory_space<vmem>>
      %dma_wait3A_860 = arith.constant 0 : i32
      %dma_wait3A_861 = tpu.memref_slice %arg6[%dma_wait3A_856, %dma_wait3A_860] : memref<5x128xi32, #tpu.memory_space<vmem>> -> memref<1x128xi32, #tpu.memory_space<vmem>>
      %dma_wait3A_862 = tpu.memref_squeeze %dma_wait3A_861 : memref<1x128xi32, #tpu.memory_space<vmem>> -> memref<128xi32, #tpu.memory_space<vmem>>
      %dma_wait3A_863 = arith.constant 0 : i32
      %dma_wait3A_864 = arith.constant 0 : i32
      %dma_wait3A_865 = tpu.memref_slice %arg3[%dma_wait3A_863, %dma_wait3A_864] : memref<1000000x32xf32, #tpu.memory_space<hbm>> -> memref<1000000x32xf32, #tpu.memory_space<hbm>>
      tpu.wait_indirect_dma semaphore(%arg14 : memref<!tpu.dma_semaphore, #tpu.memory_space<semaphore_mem>>) src(%dma_wait3A_865 : memref<1000000x32xf32, #tpu.memory_space<hbm>>) dst(%dma_wait3A_859 : memref<128x32xf32, #tpu.memory_space<vmem>>)
      %dma_wait3A_866 = arith.constant 1 : i32
      %dma_wait3A_867 = arith.constant 128 : i32
      %dma_wait3A_868 = arith.constant 0 : i32
      %dma_wait3A_869 = tpu.memref_slice %arg8[%dma_wait3A_867, %dma_wait3A_868] : memref<640x32xf32, #tpu.memory_space<vmem>> -> memref<128x32xf32, #tpu.memory_space<vmem>>
      %dma_wait3A_870 = arith.constant 0 : i32
      %dma_wait3A_871 = tpu.memref_slice %arg6[%dma_wait3A_866, %dma_wait3A_870] : memref<5x128xi32, #tpu.memory_space<vmem>> -> memref<1x128xi32, #tpu.memory_space<vmem>>
      %dma_wait3A_872 = tpu.memref_squeeze %dma_wait3A_871 : memref<1x128xi32, #tpu.memory_space<vmem>> -> memref<128xi32, #tpu.memory_space<vmem>>
      %dma_wait3A_873 = arith.constant 0 : i32
      %dma_wait3A_874 = arith.constant 0 : i32
      %dma_wait3A_875 = tpu.memref_slice %arg3[%dma_wait3A_873, %dma_wait3A_874] : memref<1000000x32xf32, #tpu.memory_space<hbm>> -> memref<1000000x32xf32, #tpu.memory_space<hbm>>
      tpu.wait_indirect_dma semaphore(%arg14 : memref<!tpu.dma_semaphore, #tpu.memory_space<semaphore_mem>>) src(%dma_wait3A_875 : memref<1000000x32xf32, #tpu.memory_space<hbm>>) dst(%dma_wait3A_869 : memref<128x32xf32, #tpu.memory_space<vmem>>)
      %dma_wait3A_876 = arith.constant 2 : i32
      %dma_wait3A_877 = arith.constant 256 : i32
      %dma_wait3A_878 = arith.constant 0 : i32
      %dma_wait3A_879 = tpu.memref_slice %arg8[%dma_wait3A_877, %dma_wait3A_878] : memref<640x32xf32, #tpu.memory_space<vmem>> -> memref<128x32xf32, #tpu.memory_space<vmem>>
      %dma_wait3A_880 = arith.constant 0 : i32
      %dma_wait3A_881 = tpu.memref_slice %arg6[%dma_wait3A_876, %dma_wait3A_880] : memref<5x128xi32, #tpu.memory_space<vmem>> -> memref<1x128xi32, #tpu.memory_space<vmem>>
      %dma_wait3A_882 = tpu.memref_squeeze %dma_wait3A_881 : memref<1x128xi32, #tpu.memory_space<vmem>> -> memref<128xi32, #tpu.memory_space<vmem>>
      %dma_wait3A_883 = arith.constant 0 : i32
      %dma_wait3A_884 = arith.constant 0 : i32
      %dma_wait3A_885 = tpu.memref_slice %arg3[%dma_wait3A_883, %dma_wait3A_884] : memref<1000000x32xf32, #tpu.memory_space<hbm>> -> memref<1000000x32xf32, #tpu.memory_space<hbm>>
      tpu.wait_indirect_dma semaphore(%arg14 : memref<!tpu.dma_semaphore, #tpu.memory_space<semaphore_mem>>) src(%dma_wait3A_885 : memref<1000000x32xf32, #tpu.memory_space<hbm>>) dst(%dma_wait3A_879 : memref<128x32xf32, #tpu.memory_space<vmem>>)
      %dma_wait3A_886 = arith.constant 3 : i32
      %dma_wait3A_887 = arith.constant 384 : i32
      %dma_wait3A_888 = arith.constant 0 : i32
      %dma_wait3A_889 = tpu.memref_slice %arg8[%dma_wait3A_887, %dma_wait3A_888] : memref<640x32xf32, #tpu.memory_space<vmem>> -> memref<128x32xf32, #tpu.memory_space<vmem>>
      %dma_wait3A_890 = arith.constant 0 : i32
      %dma_wait3A_891 = tpu.memref_slice %arg6[%dma_wait3A_886, %dma_wait3A_890] : memref<5x128xi32, #tpu.memory_space<vmem>> -> memref<1x128xi32, #tpu.memory_space<vmem>>
      %dma_wait3A_892 = tpu.memref_squeeze %dma_wait3A_891 : memref<1x128xi32, #tpu.memory_space<vmem>> -> memref<128xi32, #tpu.memory_space<vmem>>
      %dma_wait3A_893 = arith.constant 0 : i32
      %dma_wait3A_894 = arith.constant 0 : i32
      %dma_wait3A_895 = tpu.memref_slice %arg3[%dma_wait3A_893, %dma_wait3A_894] : memref<1000000x32xf32, #tpu.memory_space<hbm>> -> memref<1000000x32xf32, #tpu.memory_space<hbm>>
      tpu.wait_indirect_dma semaphore(%arg14 : memref<!tpu.dma_semaphore, #tpu.memory_space<semaphore_mem>>) src(%dma_wait3A_895 : memref<1000000x32xf32, #tpu.memory_space<hbm>>) dst(%dma_wait3A_889 : memref<128x32xf32, #tpu.memory_space<vmem>>)
      %dma_wait3A_896 = arith.constant 4 : i32
      %dma_wait3A_897 = arith.constant 512 : i32
      %dma_wait3A_898 = arith.constant 0 : i32
      %dma_wait3A_899 = tpu.memref_slice %arg8[%dma_wait3A_897, %dma_wait3A_898] : memref<640x32xf32, #tpu.memory_space<vmem>> -> memref<128x32xf32, #tpu.memory_space<vmem>>
      %dma_wait3A_900 = arith.constant 0 : i32
      %dma_wait3A_901 = tpu.memref_slice %arg6[%dma_wait3A_896, %dma_wait3A_900] : memref<5x128xi32, #tpu.memory_space<vmem>> -> memref<1x128xi32, #tpu.memory_space<vmem>>
      %dma_wait3A_902 = tpu.memref_squeeze %dma_wait3A_901 : memref<1x128xi32, #tpu.memory_space<vmem>> -> memref<128xi32, #tpu.memory_space<vmem>>
      %dma_wait3A_903 = arith.constant 0 : i32
      %dma_wait3A_904 = arith.constant 0 : i32
      %dma_wait3A_905 = tpu.memref_slice %arg3[%dma_wait3A_903, %dma_wait3A_904] : memref<1000000x32xf32, #tpu.memory_space<hbm>> -> memref<1000000x32xf32, #tpu.memory_space<hbm>>
      tpu.wait_indirect_dma semaphore(%arg14 : memref<!tpu.dma_semaphore, #tpu.memory_space<semaphore_mem>>) src(%dma_wait3A_905 : memref<1000000x32xf32, #tpu.memory_space<hbm>>) dst(%dma_wait3A_899 : memref<128x32xf32, #tpu.memory_space<vmem>>)
      %dma_wait3A_906 = arith.constant 0 : i32
      %dma_wait3A_907 = arith.constant 0 : i32
      %dma_wait3A_908 = arith.constant 0 : i32
      %dma_wait3A_909 = arith.constant 0 : i32
      %dma_wait3A_910 = arith.constant 0 : i32
      %dma_wait3A_911 = tpu.memref_slice %arg4[%dma_wait3A_906, %dma_wait3A_907, %dma_wait3A_908, %dma_wait3A_909, %dma_wait3A_910] : memref<50x4x128x8x128xf32, #tpu.memory_space<hbm>> -> memref<5x4x1x8x128xf32, #tpu.memory_space<hbm>>
      %dma_wait3A_912 = arith.constant 0 : i32
      %dma_wait3A_913 = arith.constant 0 : i32
      %dma_wait3A_914 = arith.constant 0 : i32
      %dma_wait3A_915 = arith.constant 0 : i32
      %dma_wait3A_916 = arith.constant 0 : i32
      %dma_wait3A_917 = tpu.memref_slice %arg4[%dma_wait3A_912, %dma_wait3A_913, %dma_wait3A_914, %dma_wait3A_915, %dma_wait3A_916] : memref<50x4x128x8x128xf32, #tpu.memory_space<hbm>> -> memref<5x4x1x8x128xf32, #tpu.memory_space<hbm>>
      tpu.wait_dma2 semaphore(%arg16 : memref<!tpu.dma_semaphore, #tpu.memory_space<semaphore_mem>>) src(%arg10 : memref<5x4x1x8x128xf32, #tpu.memory_space<vmem>>) dst(%dma_wait3A_917 : memref<5x4x1x8x128xf32, #tpu.memory_space<hbm>>)
      %mul3A_918 = arith.constant 4 : i32
      %mul3A_919 = arith.muli %add3A, %mul3A_918 : i32
      %jit3A_920 = arith.constant 10 : i32
      %div3A_921 = arith.divsi %add3A_855, %jit3A_920 : i32
      %sign3A_922 = arith.constant 0 : i32
      %sign3A_923 = arith.cmpi sgt, %add3A_855, %sign3A_922 : i32
      %sign3A_924 = arith.extui %sign3A_923 : i1 to i32
      %sign3A_925 = arith.constant 0 : i32
      %sign3A_926 = arith.cmpi slt, %add3A_855, %sign3A_925 : i32
      %sign3A_927 = arith.extui %sign3A_926 : i1 to i32
      %sign3A_928 = arith.subi %sign3A_924, %sign3A_927 : i32
      %sign3A_929 = arith.constant 0 : i32
      %sign3A_930 = arith.cmpi sgt, %jit3A_920, %sign3A_929 : i32
      %sign3A_931 = arith.extui %sign3A_930 : i1 to i32
      %sign3A_932 = arith.constant 0 : i32
      %sign3A_933 = arith.cmpi slt, %jit3A_920, %sign3A_932 : i32
      %sign3A_934 = arith.extui %sign3A_933 : i1 to i32
      %sign3A_935 = arith.subi %sign3A_931, %sign3A_934 : i32
      %ne3A_936 = arith.cmpi ne, %sign3A_928, %sign3A_935 : i32
      %rem3A_937 = arith.remsi %add3A_855, %jit3A_920 : i32
      %ne3A_938 = arith.constant 0 : i32
      %ne3A_939 = arith.cmpi ne, %rem3A_937, %ne3A_938 : i32
      %and3A_940 = arith.andi %ne3A_936, %ne3A_939 : i1
      %sub3A_941 = arith.constant 1 : i32
      %sub3A_942 = arith.subi %div3A_921, %sub3A_941 : i32
      %select_n3A_943 = arith.select %and3A_940, %sub3A_942, %div3A_921 : i32
      %add3A_944 = arith.addi %mul3A_919, %select_n3A_943 : i32
      %jit3A_945 = arith.constant 10 : i32
      %eq3A_946 = arith.constant 0 : i32
      %eq3A_947 = arith.cmpi eq, %jit3A_945, %eq3A_946 : i32
      %jit3A_948 = arith.constant 1 : i32
      %select_n3A_949 = arith.select %eq3A_947, %jit3A_948, %jit3A_945 : i32
      %rem3A_950 = arith.remsi %add3A_855, %select_n3A_949 : i32
      %ne3A_951 = arith.constant 0 : i32
      %ne3A_952 = arith.cmpi ne, %rem3A_950, %ne3A_951 : i32
      %lt3A_953 = arith.constant 0 : i32
      %lt3A_954 = arith.cmpi slt, %rem3A_950, %lt3A_953 : i32
      %lt3A_955 = arith.constant 0 : i32
      %lt3A_956 = arith.cmpi slt, %select_n3A_949, %lt3A_955 : i32
      %ne3A_957 = arith.xori %lt3A_954, %lt3A_956 : i1
      %and3A_958 = arith.andi %ne3A_957, %ne3A_952 : i1
      %add3A_959 = arith.addi %rem3A_950, %select_n3A_949 : i32
      %select_n3A_960 = arith.select %and3A_958, %add3A_959, %rem3A_950 : i32
      %mul3A_961 = arith.constant 5 : i32
      %mul3A_962 = arith.muli %select_n3A_960, %mul3A_961 : i32
      %dma_start3A_963 = arith.constant 0 : i32
      %dma_start3A_964 = arith.constant 0 : i32
      %dma_start3A_965 = arith.constant 0 : i32
      %dma_start3A_966 = tpu.memref_slice %arg4[%mul3A_962, %dma_start3A_963, %add3A_944, %dma_start3A_964, %dma_start3A_965] : memref<50x4x128x8x128xf32, #tpu.memory_space<hbm>> -> memref<5x4x1x8x128xf32, #tpu.memory_space<hbm>>
      %dma_start3A_967 = arith.constant 0 : i32
      %dma_start3A_968 = arith.constant 0 : i32
      %dma_start3A_969 = arith.constant 0 : i32
      %dma_start3A_970 = tpu.memref_slice %arg4[%mul3A_962, %dma_start3A_967, %add3A_944, %dma_start3A_968, %dma_start3A_969] : memref<50x4x128x8x128xf32, #tpu.memory_space<hbm>> -> memref<5x4x1x8x128xf32, #tpu.memory_space<hbm>>
      tpu.enqueue_dma source(%arg10 : memref<5x4x1x8x128xf32, #tpu.memory_space<vmem>>) target(%dma_start3A_970 : memref<5x4x1x8x128xf32, #tpu.memory_space<hbm>>) target_semaphore(%arg16 : memref<!tpu.dma_semaphore, #tpu.memory_space<semaphore_mem>>)
      %add3A_971 = arith.constant 2 : i32
      %add3A_972 = arith.addi %add3A_855, %add3A_971 : i32
      %mul3A_973 = arith.constant 4 : i32
      %mul3A_974 = arith.muli %add3A, %mul3A_973 : i32
      %jit3A_975 = arith.constant 10 : i32
      %div3A_976 = arith.divsi %add3A_972, %jit3A_975 : i32
      %sign3A_977 = arith.constant 0 : i32
      %sign3A_978 = arith.cmpi sgt, %add3A_972, %sign3A_977 : i32
      %sign3A_979 = arith.extui %sign3A_978 : i1 to i32
      %sign3A_980 = arith.constant 0 : i32
      %sign3A_981 = arith.cmpi slt, %add3A_972, %sign3A_980 : i32
      %sign3A_982 = arith.extui %sign3A_981 : i1 to i32
      %sign3A_983 = arith.subi %sign3A_979, %sign3A_982 : i32
      %sign3A_984 = arith.constant 0 : i32
      %sign3A_985 = arith.cmpi sgt, %jit3A_975, %sign3A_984 : i32
      %sign3A_986 = arith.extui %sign3A_985 : i1 to i32
      %sign3A_987 = arith.constant 0 : i32
      %sign3A_988 = arith.cmpi slt, %jit3A_975, %sign3A_987 : i32
      %sign3A_989 = arith.extui %sign3A_988 : i1 to i32
      %sign3A_990 = arith.subi %sign3A_986, %sign3A_989 : i32
      %ne3A_991 = arith.cmpi ne, %sign3A_983, %sign3A_990 : i32
      %rem3A_992 = arith.remsi %add3A_972, %jit3A_975 : i32
      %ne3A_993 = arith.constant 0 : i32
      %ne3A_994 = arith.cmpi ne, %rem3A_992, %ne3A_993 : i32
      %and3A_995 = arith.andi %ne3A_991, %ne3A_994 : i1
      %sub3A_996 = arith.constant 1 : i32
      %sub3A_997 = arith.subi %div3A_976, %sub3A_996 : i32
      %select_n3A_998 = arith.select %and3A_995, %sub3A_997, %div3A_976 : i32
      %add3A_999 = arith.addi %mul3A_974, %select_n3A_998 : i32
      %jit3A_1000 = arith.constant 10 : i32
      %eq3A_1001 = arith.constant 0 : i32
      %eq3A_1002 = arith.cmpi eq, %jit3A_1000, %eq3A_1001 : i32
      %jit3A_1003 = arith.constant 1 : i32
      %select_n3A_1004 = arith.select %eq3A_1002, %jit3A_1003, %jit3A_1000 : i32
      %rem3A_1005 = arith.remsi %add3A_972, %select_n3A_1004 : i32
      %ne3A_1006 = arith.constant 0 : i32
      %ne3A_1007 = arith.cmpi ne, %rem3A_1005, %ne3A_1006 : i32
      %lt3A_1008 = arith.constant 0 : i32
      %lt3A_1009 = arith.cmpi slt, %rem3A_1005, %lt3A_1008 : i32
      %lt3A_1010 = arith.constant 0 : i32
      %lt3A_1011 = arith.cmpi slt, %select_n3A_1004, %lt3A_1010 : i32
      %ne3A_1012 = arith.xori %lt3A_1009, %lt3A_1011 : i1
      %and3A_1013 = arith.andi %ne3A_1012, %ne3A_1007 : i1
      %add3A_1014 = arith.addi %rem3A_1005, %select_n3A_1004 : i32
      %select_n3A_1015 = arith.select %and3A_1013, %add3A_1014, %rem3A_1005 : i32
      %mul3A_1016 = arith.constant 5 : i32
      %mul3A_1017 = arith.muli %select_n3A_1015, %mul3A_1016 : i32
      %mul3A_1018 = arith.constant 128 : i32
      %mul3A_1019 = arith.muli %add3A_999, %mul3A_1018 : i32
      %dma_start3A_1020 = tpu.memref_slice %arg2[%mul3A_1017, %mul3A_1019] : memref<50x16384xi32, #tpu.memory_space<hbm>> -> memref<5x128xi32, #tpu.memory_space<hbm>>
      %dma_start3A_1021 = tpu.memref_slice %arg2[%mul3A_1017, %mul3A_1019] : memref<50x16384xi32, #tpu.memory_space<hbm>> -> memref<5x128xi32, #tpu.memory_space<hbm>>
      tpu.enqueue_dma source(%dma_start3A_1021 : memref<5x128xi32, #tpu.memory_space<hbm>>) target(%arg6 : memref<5x128xi32, #tpu.memory_space<vmem>>) target_semaphore(%arg12 : memref<!tpu.dma_semaphore, #tpu.memory_space<semaphore_mem>>)
      %dma_wait3A_1022 = arith.constant 0 : i32
      %dma_wait3A_1023 = arith.constant 0 : i32
      %dma_wait3A_1024 = tpu.memref_slice %arg2[%dma_wait3A_1022, %dma_wait3A_1023] : memref<50x16384xi32, #tpu.memory_space<hbm>> -> memref<5x128xi32, #tpu.memory_space<hbm>>
      %dma_wait3A_1025 = arith.constant 0 : i32
      %dma_wait3A_1026 = arith.constant 0 : i32
      %dma_wait3A_1027 = tpu.memref_slice %arg2[%dma_wait3A_1025, %dma_wait3A_1026] : memref<50x16384xi32, #tpu.memory_space<hbm>> -> memref<5x128xi32, #tpu.memory_space<hbm>>
      tpu.wait_dma2 semaphore(%arg12 : memref<!tpu.dma_semaphore, #tpu.memory_space<semaphore_mem>>) src(%dma_wait3A_1027 : memref<5x128xi32, #tpu.memory_space<hbm>>) dst(%arg6 : memref<5x128xi32, #tpu.memory_space<vmem>>)
      %dma_start3A_1028 = arith.constant 0 : i32
      %dma_start3A_1029 = arith.constant 0 : i32
      %dma_start3A_1030 = arith.constant 0 : i32
      %dma_start3A_1031 = tpu.memref_slice %arg8[%dma_start3A_1029, %dma_start3A_1030] : memref<640x32xf32, #tpu.memory_space<vmem>> -> memref<128x32xf32, #tpu.memory_space<vmem>>
      %dma_start3A_1032 = arith.constant 0 : i32
      %dma_start3A_1033 = tpu.memref_slice %arg6[%dma_start3A_1028, %dma_start3A_1032] : memref<5x128xi32, #tpu.memory_space<vmem>> -> memref<1x128xi32, #tpu.memory_space<vmem>>
      %dma_start3A_1034 = tpu.memref_squeeze %dma_start3A_1033 : memref<1x128xi32, #tpu.memory_space<vmem>> -> memref<128xi32, #tpu.memory_space<vmem>>
      %dma_start3A_1035 = arith.constant 0 : i32
      %dma_start3A_1036 = arith.constant 0 : i32
      %dma_start3A_1037 = tpu.memref_slice %arg3[%dma_start3A_1035, %dma_start3A_1036] : memref<1000000x32xf32, #tpu.memory_space<hbm>> -> memref<1000000x32xf32, #tpu.memory_space<hbm>>
      tpu.enqueue_indirect_dma source(%dma_start3A_1037 : memref<1000000x32xf32, #tpu.memory_space<hbm>>) target(%dma_start3A_1031 : memref<128x32xf32, #tpu.memory_space<vmem>>) offsets(%dma_start3A_1034 : memref<128xi32, #tpu.memory_space<vmem>>) semaphore(%arg14 : memref<!tpu.dma_semaphore, #tpu.memory_space<semaphore_mem>>)
      %dma_start3A_1038 = arith.constant 1 : i32
      %dma_start3A_1039 = arith.constant 128 : i32
      %dma_start3A_1040 = arith.constant 0 : i32
      %dma_start3A_1041 = tpu.memref_slice %arg8[%dma_start3A_1039, %dma_start3A_1040] : memref<640x32xf32, #tpu.memory_space<vmem>> -> memref<128x32xf32, #tpu.memory_space<vmem>>
      %dma_start3A_1042 = arith.constant 0 : i32
      %dma_start3A_1043 = tpu.memref_slice %arg6[%dma_start3A_1038, %dma_start3A_1042] : memref<5x128xi32, #tpu.memory_space<vmem>> -> memref<1x128xi32, #tpu.memory_space<vmem>>
      %dma_start3A_1044 = tpu.memref_squeeze %dma_start3A_1043 : memref<1x128xi32, #tpu.memory_space<vmem>> -> memref<128xi32, #tpu.memory_space<vmem>>
      %dma_start3A_1045 = arith.constant 0 : i32
      %dma_start3A_1046 = arith.constant 0 : i32
      %dma_start3A_1047 = tpu.memref_slice %arg3[%dma_start3A_1045, %dma_start3A_1046] : memref<1000000x32xf32, #tpu.memory_space<hbm>> -> memref<1000000x32xf32, #tpu.memory_space<hbm>>
      tpu.enqueue_indirect_dma source(%dma_start3A_1047 : memref<1000000x32xf32, #tpu.memory_space<hbm>>) target(%dma_start3A_1041 : memref<128x32xf32, #tpu.memory_space<vmem>>) offsets(%dma_start3A_1044 : memref<128xi32, #tpu.memory_space<vmem>>) semaphore(%arg14 : memref<!tpu.dma_semaphore, #tpu.memory_space<semaphore_mem>>)
      %dma_start3A_1048 = arith.constant 2 : i32
      %dma_start3A_1049 = arith.constant 256 : i32
      %dma_start3A_1050 = arith.constant 0 : i32
      %dma_start3A_1051 = tpu.memref_slice %arg8[%dma_start3A_1049, %dma_start3A_1050] : memref<640x32xf32, #tpu.memory_space<vmem>> -> memref<128x32xf32, #tpu.memory_space<vmem>>
      %dma_start3A_1052 = arith.constant 0 : i32
      %dma_start3A_1053 = tpu.memref_slice %arg6[%dma_start3A_1048, %dma_start3A_1052] : memref<5x128xi32, #tpu.memory_space<vmem>> -> memref<1x128xi32, #tpu.memory_space<vmem>>
      %dma_start3A_1054 = tpu.memref_squeeze %dma_start3A_1053 : memref<1x128xi32, #tpu.memory_space<vmem>> -> memref<128xi32, #tpu.memory_space<vmem>>
      %dma_start3A_1055 = arith.constant 0 : i32
      %dma_start3A_1056 = arith.constant 0 : i32
      %dma_start3A_1057 = tpu.memref_slice %arg3[%dma_start3A_1055, %dma_start3A_1056] : memref<1000000x32xf32, #tpu.memory_space<hbm>> -> memref<1000000x32xf32, #tpu.memory_space<hbm>>
      tpu.enqueue_indirect_dma source(%dma_start3A_1057 : memref<1000000x32xf32, #tpu.memory_space<hbm>>) target(%dma_start3A_1051 : memref<128x32xf32, #tpu.memory_space<vmem>>) offsets(%dma_start3A_1054 : memref<128xi32, #tpu.memory_space<vmem>>) semaphore(%arg14 : memref<!tpu.dma_semaphore, #tpu.memory_space<semaphore_mem>>)
      %dma_start3A_1058 = arith.constant 3 : i32
      %dma_start3A_1059 = arith.constant 384 : i32
      %dma_start3A_1060 = arith.constant 0 : i32
      %dma_start3A_1061 = tpu.memref_slice %arg8[%dma_start3A_1059, %dma_start3A_1060] : memref<640x32xf32, #tpu.memory_space<vmem>> -> memref<128x32xf32, #tpu.memory_space<vmem>>
      %dma_start3A_1062 = arith.constant 0 : i32
      %dma_start3A_1063 = tpu.memref_slice %arg6[%dma_start3A_1058, %dma_start3A_1062] : memref<5x128xi32, #tpu.memory_space<vmem>> -> memref<1x128xi32, #tpu.memory_space<vmem>>
      %dma_start3A_1064 = tpu.memref_squeeze %dma_start3A_1063 : memref<1x128xi32, #tpu.memory_space<vmem>> -> memref<128xi32, #tpu.memory_space<vmem>>
      %dma_start3A_1065 = arith.constant 0 : i32
      %dma_start3A_1066 = arith.constant 0 : i32
      %dma_start3A_1067 = tpu.memref_slice %arg3[%dma_start3A_1065, %dma_start3A_1066] : memref<1000000x32xf32, #tpu.memory_space<hbm>> -> memref<1000000x32xf32, #tpu.memory_space<hbm>>
      tpu.enqueue_indirect_dma source(%dma_start3A_1067 : memref<1000000x32xf32, #tpu.memory_space<hbm>>) target(%dma_start3A_1061 : memref<128x32xf32, #tpu.memory_space<vmem>>) offsets(%dma_start3A_1064 : memref<128xi32, #tpu.memory_space<vmem>>) semaphore(%arg14 : memref<!tpu.dma_semaphore, #tpu.memory_space<semaphore_mem>>)
      %dma_start3A_1068 = arith.constant 4 : i32
      %dma_start3A_1069 = arith.constant 512 : i32
      %dma_start3A_1070 = arith.constant 0 : i32
      %dma_start3A_1071 = tpu.memref_slice %arg8[%dma_start3A_1069, %dma_start3A_1070] : memref<640x32xf32, #tpu.memory_space<vmem>> -> memref<128x32xf32, #tpu.memory_space<vmem>>
      %dma_start3A_1072 = arith.constant 0 : i32
      %dma_start3A_1073 = tpu.memref_slice %arg6[%dma_start3A_1068, %dma_start3A_1072] : memref<5x128xi32, #tpu.memory_space<vmem>> -> memref<1x128xi32, #tpu.memory_space<vmem>>
      %dma_start3A_1074 = tpu.memref_squeeze %dma_start3A_1073 : memref<1x128xi32, #tpu.memory_space<vmem>> -> memref<128xi32, #tpu.memory_space<vmem>>
      %dma_start3A_1075 = arith.constant 0 : i32
      %dma_start3A_1076 = arith.constant 0 : i32
      %dma_start3A_1077 = tpu.memref_slice %arg3[%dma_start3A_1075, %dma_start3A_1076] : memref<1000000x32xf32, #tpu.memory_space<hbm>> -> memref<1000000x32xf32, #tpu.memory_space<hbm>>
      tpu.enqueue_indirect_dma source(%dma_start3A_1077 : memref<1000000x32xf32, #tpu.memory_space<hbm>>) target(%dma_start3A_1071 : memref<128x32xf32, #tpu.memory_space<vmem>>) offsets(%dma_start3A_1074 : memref<128xi32, #tpu.memory_space<vmem>>) semaphore(%arg14 : memref<!tpu.dma_semaphore, #tpu.memory_space<semaphore_mem>>)
    }
    %scan3A_458 = arith.constant 18 : i32
    %dma_wait3A_459 = arith.constant 0 : i32
    %dma_wait3A_460 = arith.constant 0 : i32
    %dma_wait3A_461 = arith.constant 0 : i32
    %dma_wait3A_462 = tpu.memref_slice %arg7[%dma_wait3A_460, %dma_wait3A_461] : memref<640x32xf32, #tpu.memory_space<vmem>> -> memref<128x32xf32, #tpu.memory_space<vmem>>
    %dma_wait3A_463 = arith.constant 0 : i32
    %dma_wait3A_464 = tpu.memref_slice %arg5[%dma_wait3A_459, %dma_wait3A_463] : memref<5x128xi32, #tpu.memory_space<vmem>> -> memref<1x128xi32, #tpu.memory_space<vmem>>
    %dma_wait3A_465 = tpu.memref_squeeze %dma_wait3A_464 : memref<1x128xi32, #tpu.memory_space<vmem>> -> memref<128xi32, #tpu.memory_space<vmem>>
    %dma_wait3A_466 = arith.constant 0 : i32
    %dma_wait3A_467 = arith.constant 0 : i32
    %dma_wait3A_468 = tpu.memref_slice %arg3[%dma_wait3A_466, %dma_wait3A_467] : memref<1000000x32xf32, #tpu.memory_space<hbm>> -> memref<1000000x32xf32, #tpu.memory_space<hbm>>
    tpu.wait_indirect_dma semaphore(%arg13 : memref<!tpu.dma_semaphore, #tpu.memory_space<semaphore_mem>>) src(%dma_wait3A_468 : memref<1000000x32xf32, #tpu.memory_space<hbm>>) dst(%dma_wait3A_462 : memref<128x32xf32, #tpu.memory_space<vmem>>)
    %dma_wait3A_469 = arith.constant 1 : i32
    %dma_wait3A_470 = arith.constant 128 : i32
    %dma_wait3A_471 = arith.constant 0 : i32
    %dma_wait3A_472 = tpu.memref_slice %arg7[%dma_wait3A_470, %dma_wait3A_471] : memref<640x32xf32, #tpu.memory_space<vmem>> -> memref<128x32xf32, #tpu.memory_space<vmem>>
    %dma_wait3A_473 = arith.constant 0 : i32
    %dma_wait3A_474 = tpu.memref_slice %arg5[%dma_wait3A_469, %dma_wait3A_473] : memref<5x128xi32, #tpu.memory_space<vmem>> -> memref<1x128xi32, #tpu.memory_space<vmem>>
    %dma_wait3A_475 = tpu.memref_squeeze %dma_wait3A_474 : memref<1x128xi32, #tpu.memory_space<vmem>> -> memref<128xi32, #tpu.memory_space<vmem>>
    %dma_wait3A_476 = arith.constant 0 : i32
    %dma_wait3A_477 = arith.constant 0 : i32
    %dma_wait3A_478 = tpu.memref_slice %arg3[%dma_wait3A_476, %dma_wait3A_477] : memref<1000000x32xf32, #tpu.memory_space<hbm>> -> memref<1000000x32xf32, #tpu.memory_space<hbm>>
    tpu.wait_indirect_dma semaphore(%arg13 : memref<!tpu.dma_semaphore, #tpu.memory_space<semaphore_mem>>) src(%dma_wait3A_478 : memref<1000000x32xf32, #tpu.memory_space<hbm>>) dst(%dma_wait3A_472 : memref<128x32xf32, #tpu.memory_space<vmem>>)
    %dma_wait3A_479 = arith.constant 2 : i32
    %dma_wait3A_480 = arith.constant 256 : i32
    %dma_wait3A_481 = arith.constant 0 : i32
    %dma_wait3A_482 = tpu.memref_slice %arg7[%dma_wait3A_480, %dma_wait3A_481] : memref<640x32xf32, #tpu.memory_space<vmem>> -> memref<128x32xf32, #tpu.memory_space<vmem>>
    %dma_wait3A_483 = arith.constant 0 : i32
    %dma_wait3A_484 = tpu.memref_slice %arg5[%dma_wait3A_479, %dma_wait3A_483] : memref<5x128xi32, #tpu.memory_space<vmem>> -> memref<1x128xi32, #tpu.memory_space<vmem>>
    %dma_wait3A_485 = tpu.memref_squeeze %dma_wait3A_484 : memref<1x128xi32, #tpu.memory_space<vmem>> -> memref<128xi32, #tpu.memory_space<vmem>>
    %dma_wait3A_486 = arith.constant 0 : i32
    %dma_wait3A_487 = arith.constant 0 : i32
    %dma_wait3A_488 = tpu.memref_slice %arg3[%dma_wait3A_486, %dma_wait3A_487] : memref<1000000x32xf32, #tpu.memory_space<hbm>> -> memref<1000000x32xf32, #tpu.memory_space<hbm>>
    tpu.wait_indirect_dma semaphore(%arg13 : memref<!tpu.dma_semaphore, #tpu.memory_space<semaphore_mem>>) src(%dma_wait3A_488 : memref<1000000x32xf32, #tpu.memory_space<hbm>>) dst(%dma_wait3A_482 : memref<128x32xf32, #tpu.memory_space<vmem>>)
    %dma_wait3A_489 = arith.constant 3 : i32
    %dma_wait3A_490 = arith.constant 384 : i32
    %dma_wait3A_491 = arith.constant 0 : i32
    %dma_wait3A_492 = tpu.memref_slice %arg7[%dma_wait3A_490, %dma_wait3A_491] : memref<640x32xf32, #tpu.memory_space<vmem>> -> memref<128x32xf32, #tpu.memory_space<vmem>>
    %dma_wait3A_493 = arith.constant 0 : i32
    %dma_wait3A_494 = tpu.memref_slice %arg5[%dma_wait3A_489, %dma_wait3A_493] : memref<5x128xi32, #tpu.memory_space<vmem>> -> memref<1x128xi32, #tpu.memory_space<vmem>>
    %dma_wait3A_495 = tpu.memref_squeeze %dma_wait3A_494 : memref<1x128xi32, #tpu.memory_space<vmem>> -> memref<128xi32, #tpu.memory_space<vmem>>
    %dma_wait3A_496 = arith.constant 0 : i32
    %dma_wait3A_497 = arith.constant 0 : i32
    %dma_wait3A_498 = tpu.memref_slice %arg3[%dma_wait3A_496, %dma_wait3A_497] : memref<1000000x32xf32, #tpu.memory_space<hbm>> -> memref<1000000x32xf32, #tpu.memory_space<hbm>>
    tpu.wait_indirect_dma semaphore(%arg13 : memref<!tpu.dma_semaphore, #tpu.memory_space<semaphore_mem>>) src(%dma_wait3A_498 : memref<1000000x32xf32, #tpu.memory_space<hbm>>) dst(%dma_wait3A_492 : memref<128x32xf32, #tpu.memory_space<vmem>>)
    %dma_wait3A_499 = arith.constant 4 : i32
    %dma_wait3A_500 = arith.constant 512 : i32
    %dma_wait3A_501 = arith.constant 0 : i32
    %dma_wait3A_502 = tpu.memref_slice %arg7[%dma_wait3A_500, %dma_wait3A_501] : memref<640x32xf32, #tpu.memory_space<vmem>> -> memref<128x32xf32, #tpu.memory_space<vmem>>
    %dma_wait3A_503 = arith.constant 0 : i32
    %dma_wait3A_504 = tpu.memref_slice %arg5[%dma_wait3A_499, %dma_wait3A_503] : memref<5x128xi32, #tpu.memory_space<vmem>> -> memref<1x128xi32, #tpu.memory_space<vmem>>
    %dma_wait3A_505 = tpu.memref_squeeze %dma_wait3A_504 : memref<1x128xi32, #tpu.memory_space<vmem>> -> memref<128xi32, #tpu.memory_space<vmem>>
    %dma_wait3A_506 = arith.constant 0 : i32
    %dma_wait3A_507 = arith.constant 0 : i32
    %dma_wait3A_508 = tpu.memref_slice %arg3[%dma_wait3A_506, %dma_wait3A_507] : memref<1000000x32xf32, #tpu.memory_space<hbm>> -> memref<1000000x32xf32, #tpu.memory_space<hbm>>
    tpu.wait_indirect_dma semaphore(%arg13 : memref<!tpu.dma_semaphore, #tpu.memory_space<semaphore_mem>>) src(%dma_wait3A_508 : memref<1000000x32xf32, #tpu.memory_space<hbm>>) dst(%dma_wait3A_502 : memref<128x32xf32, #tpu.memory_space<vmem>>)
    %dma_wait3A_509 = arith.constant 0 : i32
    %dma_wait3A_510 = arith.constant 0 : i32
    %dma_wait3A_511 = arith.constant 0 : i32
    %dma_wait3A_512 = arith.constant 0 : i32
    %dma_wait3A_513 = arith.constant 0 : i32
    %dma_wait3A_514 = tpu.memref_slice %arg4[%dma_wait3A_509, %dma_wait3A_510, %dma_wait3A_511, %dma_wait3A_512, %dma_wait3A_513] : memref<50x4x128x8x128xf32, #tpu.memory_space<hbm>> -> memref<5x4x1x8x128xf32, #tpu.memory_space<hbm>>
    %dma_wait3A_515 = arith.constant 0 : i32
    %dma_wait3A_516 = arith.constant 0 : i32
    %dma_wait3A_517 = arith.constant 0 : i32
    %dma_wait3A_518 = arith.constant 0 : i32
    %dma_wait3A_519 = arith.constant 0 : i32
    %dma_wait3A_520 = tpu.memref_slice %arg4[%dma_wait3A_515, %dma_wait3A_516, %dma_wait3A_517, %dma_wait3A_518, %dma_wait3A_519] : memref<50x4x128x8x128xf32, #tpu.memory_space<hbm>> -> memref<5x4x1x8x128xf32, #tpu.memory_space<hbm>>
    tpu.wait_dma2 semaphore(%arg15 : memref<!tpu.dma_semaphore, #tpu.memory_space<semaphore_mem>>) src(%arg9 : memref<5x4x1x8x128xf32, #tpu.memory_space<vmem>>) dst(%dma_wait3A_520 : memref<5x4x1x8x128xf32, #tpu.memory_space<hbm>>)
    %mul3A_521 = arith.constant 4 : i32
    %mul3A_522 = arith.muli %add3A, %mul3A_521 : i32
    %add3A_523 = arith.constant 3 : i32
    %add3A_524 = arith.addi %mul3A_522, %add3A_523 : i32
    %dma_start3A_525 = arith.constant 40 : i32
    %dma_start3A_526 = arith.constant 0 : i32
    %dma_start3A_527 = arith.constant 0 : i32
    %dma_start3A_528 = arith.constant 0 : i32
    %dma_start3A_529 = tpu.memref_slice %arg4[%dma_start3A_525, %dma_start3A_526, %add3A_524, %dma_start3A_527, %dma_start3A_528] : memref<50x4x128x8x128xf32, #tpu.memory_space<hbm>> -> memref<5x4x1x8x128xf32, #tpu.memory_space<hbm>>
    %dma_start3A_530 = arith.constant 40 : i32
    %dma_start3A_531 = arith.constant 0 : i32
    %dma_start3A_532 = arith.constant 0 : i32
    %dma_start3A_533 = arith.constant 0 : i32
    %dma_start3A_534 = tpu.memref_slice %arg4[%dma_start3A_530, %dma_start3A_531, %add3A_524, %dma_start3A_532, %dma_start3A_533] : memref<50x4x128x8x128xf32, #tpu.memory_space<hbm>> -> memref<5x4x1x8x128xf32, #tpu.memory_space<hbm>>
    tpu.enqueue_dma source(%arg9 : memref<5x4x1x8x128xf32, #tpu.memory_space<vmem>>) target(%dma_start3A_534 : memref<5x4x1x8x128xf32, #tpu.memory_space<hbm>>) target_semaphore(%arg15 : memref<!tpu.dma_semaphore, #tpu.memory_space<semaphore_mem>>)
    %dma_wait3A_535 = arith.constant 0 : i32
    %dma_wait3A_536 = arith.constant 0 : i32
    %dma_wait3A_537 = arith.constant 0 : i32
    %dma_wait3A_538 = tpu.memref_slice %arg8[%dma_wait3A_536, %dma_wait3A_537] : memref<640x32xf32, #tpu.memory_space<vmem>> -> memref<128x32xf32, #tpu.memory_space<vmem>>
    %dma_wait3A_539 = arith.constant 0 : i32
    %dma_wait3A_540 = tpu.memref_slice %arg6[%dma_wait3A_535, %dma_wait3A_539] : memref<5x128xi32, #tpu.memory_space<vmem>> -> memref<1x128xi32, #tpu.memory_space<vmem>>
    %dma_wait3A_541 = tpu.memref_squeeze %dma_wait3A_540 : memref<1x128xi32, #tpu.memory_space<vmem>> -> memref<128xi32, #tpu.memory_space<vmem>>
    %dma_wait3A_542 = arith.constant 0 : i32
    %dma_wait3A_543 = arith.constant 0 : i32
    %dma_wait3A_544 = tpu.memref_slice %arg3[%dma_wait3A_542, %dma_wait3A_543] : memref<1000000x32xf32, #tpu.memory_space<hbm>> -> memref<1000000x32xf32, #tpu.memory_space<hbm>>
    tpu.wait_indirect_dma semaphore(%arg14 : memref<!tpu.dma_semaphore, #tpu.memory_space<semaphore_mem>>) src(%dma_wait3A_544 : memref<1000000x32xf32, #tpu.memory_space<hbm>>) dst(%dma_wait3A_538 : memref<128x32xf32, #tpu.memory_space<vmem>>)
    %dma_wait3A_545 = arith.constant 1 : i32
    %dma_wait3A_546 = arith.constant 128 : i32
    %dma_wait3A_547 = arith.constant 0 : i32
    %dma_wait3A_548 = tpu.memref_slice %arg8[%dma_wait3A_546, %dma_wait3A_547] : memref<640x32xf32, #tpu.memory_space<vmem>> -> memref<128x32xf32, #tpu.memory_space<vmem>>
    %dma_wait3A_549 = arith.constant 0 : i32
    %dma_wait3A_550 = tpu.memref_slice %arg6[%dma_wait3A_545, %dma_wait3A_549] : memref<5x128xi32, #tpu.memory_space<vmem>> -> memref<1x128xi32, #tpu.memory_space<vmem>>
    %dma_wait3A_551 = tpu.memref_squeeze %dma_wait3A_550 : memref<1x128xi32, #tpu.memory_space<vmem>> -> memref<128xi32, #tpu.memory_space<vmem>>
    %dma_wait3A_552 = arith.constant 0 : i32
    %dma_wait3A_553 = arith.constant 0 : i32
    %dma_wait3A_554 = tpu.memref_slice %arg3[%dma_wait3A_552, %dma_wait3A_553] : memref<1000000x32xf32, #tpu.memory_space<hbm>> -> memref<1000000x32xf32, #tpu.memory_space<hbm>>
    tpu.wait_indirect_dma semaphore(%arg14 : memref<!tpu.dma_semaphore, #tpu.memory_space<semaphore_mem>>) src(%dma_wait3A_554 : memref<1000000x32xf32, #tpu.memory_space<hbm>>) dst(%dma_wait3A_548 : memref<128x32xf32, #tpu.memory_space<vmem>>)
    %dma_wait3A_555 = arith.constant 2 : i32
    %dma_wait3A_556 = arith.constant 256 : i32
    %dma_wait3A_557 = arith.constant 0 : i32
    %dma_wait3A_558 = tpu.memref_slice %arg8[%dma_wait3A_556, %dma_wait3A_557] : memref<640x32xf32, #tpu.memory_space<vmem>> -> memref<128x32xf32, #tpu.memory_space<vmem>>
    %dma_wait3A_559 = arith.constant 0 : i32
    %dma_wait3A_560 = tpu.memref_slice %arg6[%dma_wait3A_555, %dma_wait3A_559] : memref<5x128xi32, #tpu.memory_space<vmem>> -> memref<1x128xi32, #tpu.memory_space<vmem>>
    %dma_wait3A_561 = tpu.memref_squeeze %dma_wait3A_560 : memref<1x128xi32, #tpu.memory_space<vmem>> -> memref<128xi32, #tpu.memory_space<vmem>>
    %dma_wait3A_562 = arith.constant 0 : i32
    %dma_wait3A_563 = arith.constant 0 : i32
    %dma_wait3A_564 = tpu.memref_slice %arg3[%dma_wait3A_562, %dma_wait3A_563] : memref<1000000x32xf32, #tpu.memory_space<hbm>> -> memref<1000000x32xf32, #tpu.memory_space<hbm>>
    tpu.wait_indirect_dma semaphore(%arg14 : memref<!tpu.dma_semaphore, #tpu.memory_space<semaphore_mem>>) src(%dma_wait3A_564 : memref<1000000x32xf32, #tpu.memory_space<hbm>>) dst(%dma_wait3A_558 : memref<128x32xf32, #tpu.memory_space<vmem>>)
    %dma_wait3A_565 = arith.constant 3 : i32
    %dma_wait3A_566 = arith.constant 384 : i32
    %dma_wait3A_567 = arith.constant 0 : i32
    %dma_wait3A_568 = tpu.memref_slice %arg8[%dma_wait3A_566, %dma_wait3A_567] : memref<640x32xf32, #tpu.memory_space<vmem>> -> memref<128x32xf32, #tpu.memory_space<vmem>>
    %dma_wait3A_569 = arith.constant 0 : i32
    %dma_wait3A_570 = tpu.memref_slice %arg6[%dma_wait3A_565, %dma_wait3A_569] : memref<5x128xi32, #tpu.memory_space<vmem>> -> memref<1x128xi32, #tpu.memory_space<vmem>>
    %dma_wait3A_571 = tpu.memref_squeeze %dma_wait3A_570 : memref<1x128xi32, #tpu.memory_space<vmem>> -> memref<128xi32, #tpu.memory_space<vmem>>
    %dma_wait3A_572 = arith.constant 0 : i32
    %dma_wait3A_573 = arith.constant 0 : i32
    %dma_wait3A_574 = tpu.memref_slice %arg3[%dma_wait3A_572, %dma_wait3A_573] : memref<1000000x32xf32, #tpu.memory_space<hbm>> -> memref<1000000x32xf32, #tpu.memory_space<hbm>>
    tpu.wait_indirect_dma semaphore(%arg14 : memref<!tpu.dma_semaphore, #tpu.memory_space<semaphore_mem>>) src(%dma_wait3A_574 : memref<1000000x32xf32, #tpu.memory_space<hbm>>) dst(%dma_wait3A_568 : memref<128x32xf32, #tpu.memory_space<vmem>>)
    %dma_wait3A_575 = arith.constant 4 : i32
    %dma_wait3A_576 = arith.constant 512 : i32
    %dma_wait3A_577 = arith.constant 0 : i32
    %dma_wait3A_578 = tpu.memref_slice %arg8[%dma_wait3A_576, %dma_wait3A_577] : memref<640x32xf32, #tpu.memory_space<vmem>> -> memref<128x32xf32, #tpu.memory_space<vmem>>
    %dma_wait3A_579 = arith.constant 0 : i32
    %dma_wait3A_580 = tpu.memref_slice %arg6[%dma_wait3A_575, %dma_wait3A_579] : memref<5x128xi32, #tpu.memory_space<vmem>> -> memref<1x128xi32, #tpu.memory_space<vmem>>
    %dma_wait3A_581 = tpu.memref_squeeze %dma_wait3A_580 : memref<1x128xi32, #tpu.memory_space<vmem>> -> memref<128xi32, #tpu.memory_space<vmem>>
    %dma_wait3A_582 = arith.constant 0 : i32
    %dma_wait3A_583 = arith.constant 0 : i32
    %dma_wait3A_584 = tpu.memref_slice %arg3[%dma_wait3A_582, %dma_wait3A_583] : memref<1000000x32xf32, #tpu.memory_space<hbm>> -> memref<1000000x32xf32, #tpu.memory_space<hbm>>
    tpu.wait_indirect_dma semaphore(%arg14 : memref<!tpu.dma_semaphore, #tpu.memory_space<semaphore_mem>>) src(%dma_wait3A_584 : memref<1000000x32xf32, #tpu.memory_space<hbm>>) dst(%dma_wait3A_578 : memref<128x32xf32, #tpu.memory_space<vmem>>)
    %dma_wait3A_585 = arith.constant 0 : i32
    %dma_wait3A_586 = arith.constant 0 : i32
    %dma_wait3A_587 = arith.constant 0 : i32
    %dma_wait3A_588 = arith.constant 0 : i32
    %dma_wait3A_589 = arith.constant 0 : i32
    %dma_wait3A_590 = tpu.memref_slice %arg4[%dma_wait3A_585, %dma_wait3A_586, %dma_wait3A_587, %dma_wait3A_588, %dma_wait3A_589] : memref<50x4x128x8x128xf32, #tpu.memory_space<hbm>> -> memref<5x4x1x8x128xf32, #tpu.memory_space<hbm>>
    %dma_wait3A_591 = arith.constant 0 : i32
    %dma_wait3A_592 = arith.constant 0 : i32
    %dma_wait3A_593 = arith.constant 0 : i32
    %dma_wait3A_594 = arith.constant 0 : i32
    %dma_wait3A_595 = arith.constant 0 : i32
    %dma_wait3A_596 = tpu.memref_slice %arg4[%dma_wait3A_591, %dma_wait3A_592, %dma_wait3A_593, %dma_wait3A_594, %dma_wait3A_595] : memref<50x4x128x8x128xf32, #tpu.memory_space<hbm>> -> memref<5x4x1x8x128xf32, #tpu.memory_space<hbm>>
    tpu.wait_dma2 semaphore(%arg16 : memref<!tpu.dma_semaphore, #tpu.memory_space<semaphore_mem>>) src(%arg10 : memref<5x4x1x8x128xf32, #tpu.memory_space<vmem>>) dst(%dma_wait3A_596 : memref<5x4x1x8x128xf32, #tpu.memory_space<hbm>>)
    %mul3A_597 = arith.constant 4 : i32
    %mul3A_598 = arith.muli %add3A, %mul3A_597 : i32
    %add3A_599 = arith.constant 3 : i32
    %add3A_600 = arith.addi %mul3A_598, %add3A_599 : i32
    %dma_start3A_601 = arith.constant 45 : i32
    %dma_start3A_602 = arith.constant 0 : i32
    %dma_start3A_603 = arith.constant 0 : i32
    %dma_start3A_604 = arith.constant 0 : i32
    %dma_start3A_605 = tpu.memref_slice %arg4[%dma_start3A_601, %dma_start3A_602, %add3A_600, %dma_start3A_603, %dma_start3A_604] : memref<50x4x128x8x128xf32, #tpu.memory_space<hbm>> -> memref<5x4x1x8x128xf32, #tpu.memory_space<hbm>>
    %dma_start3A_606 = arith.constant 45 : i32
    %dma_start3A_607 = arith.constant 0 : i32
    %dma_start3A_608 = arith.constant 0 : i32
    %dma_start3A_609 = arith.constant 0 : i32
    %dma_start3A_610 = tpu.memref_slice %arg4[%dma_start3A_606, %dma_start3A_607, %add3A_600, %dma_start3A_608, %dma_start3A_609] : memref<50x4x128x8x128xf32, #tpu.memory_space<hbm>> -> memref<5x4x1x8x128xf32, #tpu.memory_space<hbm>>
    tpu.enqueue_dma source(%arg10 : memref<5x4x1x8x128xf32, #tpu.memory_space<vmem>>) target(%dma_start3A_610 : memref<5x4x1x8x128xf32, #tpu.memory_space<hbm>>) target_semaphore(%arg16 : memref<!tpu.dma_semaphore, #tpu.memory_space<semaphore_mem>>)
    %dma_wait3A_611 = arith.constant 0 : i32
    %dma_wait3A_612 = arith.constant 0 : i32
    %dma_wait3A_613 = arith.constant 0 : i32
    %dma_wait3A_614 = arith.constant 0 : i32
    %dma_wait3A_615 = arith.constant 0 : i32
    %dma_wait3A_616 = tpu.memref_slice %arg4[%dma_wait3A_611, %dma_wait3A_612, %dma_wait3A_613, %dma_wait3A_614, %dma_wait3A_615] : memref<50x4x128x8x128xf32, #tpu.memory_space<hbm>> -> memref<5x4x1x8x128xf32, #tpu.memory_space<hbm>>
    %dma_wait3A_617 = arith.constant 0 : i32
    %dma_wait3A_618 = arith.constant 0 : i32
    %dma_wait3A_619 = arith.constant 0 : i32
    %dma_wait3A_620 = arith.constant 0 : i32
    %dma_wait3A_621 = arith.constant 0 : i32
    %dma_wait3A_622 = tpu.memref_slice %arg4[%dma_wait3A_617, %dma_wait3A_618, %dma_wait3A_619, %dma_wait3A_620, %dma_wait3A_621] : memref<50x4x128x8x128xf32, #tpu.memory_space<hbm>> -> memref<5x4x1x8x128xf32, #tpu.memory_space<hbm>>
    tpu.wait_dma2 semaphore(%arg15 : memref<!tpu.dma_semaphore, #tpu.memory_space<semaphore_mem>>) src(%arg9 : memref<5x4x1x8x128xf32, #tpu.memory_space<vmem>>) dst(%dma_wait3A_622 : memref<5x4x1x8x128xf32, #tpu.memory_space<hbm>>)
    %dma_wait3A_623 = arith.constant 0 : i32
    %dma_wait3A_624 = arith.constant 0 : i32
    %dma_wait3A_625 = arith.constant 0 : i32
    %dma_wait3A_626 = arith.constant 0 : i32
    %dma_wait3A_627 = arith.constant 0 : i32
    %dma_wait3A_628 = tpu.memref_slice %arg4[%dma_wait3A_623, %dma_wait3A_624, %dma_wait3A_625, %dma_wait3A_626, %dma_wait3A_627] : memref<50x4x128x8x128xf32, #tpu.memory_space<hbm>> -> memref<5x4x1x8x128xf32, #tpu.memory_space<hbm>>
    %dma_wait3A_629 = arith.constant 0 : i32
    %dma_wait3A_630 = arith.constant 0 : i32
    %dma_wait3A_631 = arith.constant 0 : i32
    %dma_wait3A_632 = arith.constant 0 : i32
    %dma_wait3A_633 = arith.constant 0 : i32
    %dma_wait3A_634 = tpu.memref_slice %arg4[%dma_wait3A_629, %dma_wait3A_630, %dma_wait3A_631, %dma_wait3A_632, %dma_wait3A_633] : memref<50x4x128x8x128xf32, #tpu.memory_space<hbm>> -> memref<5x4x1x8x128xf32, #tpu.memory_space<hbm>>
    tpu.wait_dma2 semaphore(%arg16 : memref<!tpu.dma_semaphore, #tpu.memory_space<semaphore_mem>>) src(%arg10 : memref<5x4x1x8x128xf32, #tpu.memory_space<vmem>>) dst(%dma_wait3A_634 : memref<5x4x1x8x128xf32, #tpu.memory_space<hbm>>)
    return
  }
}

</mosaic_0001>

<sc_bundles>
// kernel: _sc_embed.3.cloned.1.call-start
scs
__scs_entry_jumppad:
0x0: {  	(pc) =	sbr.rel $0x88, $3  }
0x1: {  	(tag) =	ssettag $0x0;
	lr =	simm.s32 $0x1  }
0x2: {  	[smem:$0x3F9F] =	sst lr;
	_ =	strace $0xD0000000  }
0x3: {  	_ = 	snop  }
0x4: {  	_ = 	snop  }
0x5: {  	_ = 	snop  }
0x6: {  	_ = 	snop  }
0x7: {  	_ = 	snop  }
__scs_overlays_trampoline_lowered:
0x8: {  	[smem:$0x3FAE] =	sst s0  }
0x9: {  	[smem:$0x3FAF] =	sst s1  }
0xa: {  	[smem:$0x3FB0] =	sst s2  }
0xb: {  	[smem:$0x3FB1] =	sst s3  }
0xc: {  	[smem:$0x3FB2] =	sst s4  }
0xd: {  	[smem:$0x3FB3] =	sst s5  }
0xe: {  	[smem:$0x3FB4] =	sst s6  }
0xf: {  	[smem:$0x3FB5] =	sst s7  }
0x10: {  	[smem:$0x3FB6] =	sst s8  }
0x11: {  	[smem:$0x3FB7] =	sst s9;
	s0 =	simm.s32 @!p0 $0x0  }
0x12: {  	s1 =	sld [smem:$0x3F9D];
	s0 =	simm.s32 @p0 $0x1  }
0x13: {  	[smem:$0x3FB8] =	sst s0;
	s0 =	simm.s32 @!p1 $0x0  }
0x14: {  	s2 =	sld [smem:$0x3F9C];
	s0 =	simm.s32 @p1 $0x1  }
0x15: {  	[smem:$0x3FB9] =	sst s0;
	s0 =	simm.s32 @!p2 $0x0  }
0x16: {  	s3 =	sld [smem:$0x3FDB];
	s0 =	simm.s32 @p2 $0x1  }
0x17: {  	s4 =	simm.s32 $0x1BF5;
	[smem:$0x3FBB] =	sst s0  }
0x18: {  	s0 =	sld [smem:$0x3F9E];
	_ =	swait.ge [sflag:s4], $0x0  }
0x19: {  	s7 =	sld [smem:$0x3F9F]  }
0x1a: {  	s8 =	sadd.s32 $0xFFFFE003, lr  }
0x1b: {  	s9 =	sadd.s32 $0xFFFFFEF7, lr;
	s5 =	simm.s32 $0xFFFFFFFF;
	p2 =	slt.u32 s8, $0xFFFFF086  }
0x1c: {  	p1 =	slt.u32 s9, $0xF7A;
	s5 =	simm.s32 @!p2 $0x0  }
0x1d: {  	s5 =	simm.s32 @p1 $0x1;
	p0 =	seq.s32 s7, s2  }
0x1e: {  	s7 =	smul.u32 @!p0 $0xF7A, s2;
	p2 =	seq.s32 @!p0 s5, $0x0  }
0x1f: {  	s9 =	smul.u32 $0xF7A, s1;
	s8 =	simm.s32 @!p0 $0x1BF5;
	p2 =	por !p2, p0  }
0x20: {  	[sflag:s8] =	ssyncset.s32 @!p0 $0xFFFFF086;
	s6 =	sadd.s32 @!p0 s3, s7;
	s7 =	simm.s32 @!p0 $0x108  }
0x21: {  	s3 =	sadd.s32 s3, s9;
	s6 =	sadd.s32 @!p0 $0x88, s6;
	s7 =	simm.s32 @p2 $0x1082  }
0x22: {  	[simem:s7], [sflag:s8] =	dma.local @!p0 [hbm:s6], $0xF7A  }
0x23: {  	s9 =	sor.u32 $0xD0000000, s2;
	s6 =	simm.s32 $0x108;
	_ =	swait.ge @!p0 [sflag:s8], $0x0  }
0x24: {  	s3 =	sadd.s32 $0x88, s3;
	s6 =	simm.s32 @!p1 $0x1082;
	[sflag:s4] =	ssyncset.s32 $0xFFFFF086  }
0x25: {  	[simem:s6], [sflag:s4] =	dma.local [hbm:s3], $0xF7A  }
0x26: {  	[smem:$0x3F9F] =	sst s1;
	(tag) =	ssettag s2;
	_ =	strace s9  }
0x27: {  	s1 =	sld [smem:$0x3FAF]  }
0x28: {  	s2 =	sld [smem:$0x3FB0]  }
0x29: {  	s4 =	sld [smem:$0x3FB2]  }
0x2a: {  	p0 =	seq.s32 s5, $0x0;
	s5 =	sld [smem:$0x3FB3]  }
0x2b: {  	s6 =	sld [smem:$0x3FB4]  }
0x2c: {  	s7 =	sld [smem:$0x3FB5]  }
0x2d: {  	s3 =	simm.s32 $0x108;
	s8 =	sld [smem:$0x3FB6]  }
0x2e: {  	s3 =	simm.s32 @!p0 $0x1082;
	s9 =	sld [smem:$0x3FB7]  }
0x2f: {  	lr =	sadd.s32 s0, s3;
	s0 =	sld [smem:$0x3FAE]  }
0x30: {  	s3 =	sld [smem:$0x3FB1]  }
0x31: {  	[smem:$0x3FBA] =	sst s10  }
0x32: {  	s10 =	sld [smem:$0x3FB8];
	_ =	sdelay $0x3  }
0x33: {  	p0 =	seq.s32 s10, $0x1;
	s10 =	sld [smem:$0x3FBA];
	_ =	sdelay $0x3  }
0x34: {  	[smem:$0x3FBA] =	sst s10  }
0x35: {  	s10 =	sld [smem:$0x3FB9];
	_ =	sdelay $0x3  }
0x36: {  	p1 =	seq.s32 s10, $0x1;
	s10 =	sld [smem:$0x3FBA];
	_ =	sdelay $0x3  }
0x37: {  	[smem:$0x3FBA] =	sst s10  }
0x38: {  	s10 =	sld [smem:$0x3FBB]  }
0x39: {  	_ = 	snop;
	(pc) =	sbr.ind lr, $3  }
0x3a: {  	_ = 	snop  }
0x3b: {  	_ = 	snop  }
0x3c: {  	p2 =	seq.s32 s10, $0x1;
	s10 =	sld [smem:$0x3FBA]  }
0x3d: {  	_ =	shalt  }
0x3e: {  	_ =	shalt  }
0x3f: {  	_ =	shalt  }
0x40: {  	_ =	shalt  }
0x41: {  	_ =	shalt  }
0x42: {  	_ =	shalt  }
0x43: {  	_ =	shalt  }
0x44: {  	_ =	shalt  }
0x45: {  	_ =	shalt  }
0x46: {  	_ =	shalt  }
0x47: {  	_ =	shalt  }
0x48: {  	_ =	shalt  }
0x49: {  	_ =	shalt  }
0x4a: {  	_ =	shalt  }
0x4b: {  	_ =	shalt  }
0x4c: {  	_ =	shalt  }
0x4d: {  	_ =	shalt  }
0x4e: {  	_ =	shalt  }
0x4f: {  	_ =	shalt  }
0x50: {  	_ =	shalt  }
0x51: {  	_ =	shalt  }
0x52: {  	_ =	shalt  }
0x53: {  	_ =	shalt  }
0x54: {  	_ =	shalt  }
0x55: {  	_ =	shalt  }
0x56: {  	_ =	shalt  }
0x57: {  	_ =	shalt  }
0x58: {  	_ =	shalt  }
0x59: {  	_ =	shalt  }
0x5a: {  	_ =	shalt  }
0x5b: {  	_ =	shalt  }
0x5c: {  	_ =	shalt  }
0x5d: {  	_ =	shalt  }
0x5e: {  	_ =	shalt  }
0x5f: {  	_ =	shalt  }
0x60: {  	_ =	shalt  }
0x61: {  	_ =	shalt  }
0x62: {  	_ =	shalt  }
0x63: {  	_ =	shalt  }
0x64: {  	_ =	shalt  }
0x65: {  	_ =	shalt  }
0x66: {  	_ =	shalt  }
0x67: {  	_ =	shalt  }
0x68: {  	_ =	shalt  }
0x69: {  	_ =	shalt  }
0x6a: {  	_ =	shalt  }
0x6b: {  	_ =	shalt  }
0x6c: {  	_ =	shalt  }
0x6d: {  	_ =	shalt  }
0x6e: {  	_ =	shalt  }
0x6f: {  	_ =	shalt  }
0x70: {  	_ =	shalt  }
0x71: {  	_ =	shalt  }
0x72: {  	_ =	shalt  }
0x73: {  	_ =	shalt  }
0x74: {  	_ =	shalt  }
0x75: {  	_ =	shalt  }
0x76: {  	_ =	shalt  }
0x77: {  	_ =	shalt  }
0x78: {  	_ =	shalt  }
0x79: {  	_ =	shalt  }
0x7a: {  	_ =	shalt  }
0x7b: {  	_ =	shalt  }
0x7c: {  	_ =	shalt  }
0x7d: {  	_ =	shalt  }
0x7e: {  	_ =	shalt  }
0x7f: {  	_ =	shalt  }
0x80: {  	_ =	shalt  }
0x81: {  	_ =	shalt  }
0x82: {  	_ =	shalt  }
0x83: {  	_ =	shalt  }
0x84: {  	_ =	shalt  }
0x85: {  	_ =	shalt  }
0x86: {  	_ =	shalt  }
0x87: {  	_ =	shalt  }
.Lfunc_end0:
.L_simem_size_0:
called_computation_lowered:
.L_overlay_start_0:
0x88: {  	s2 =	sld [smem:$0x3FD9]  }
0x89: {  	s3 =	sld [smem:$0x3FFE];
	_ =	sdelay $0x1  }
0x8a: {  	s1 =	srdreg.scid  }
0x8b: {  	s0 =	sand.u32 $0x1, s1  }
0x8c: {  	s17 =	sshll.u32 s0, $0xA;
	s2 =	sadd.s32 s3, s2  }
0x8d: {  	s2 =	sadd.s32 s2, s17  }
0x8e: {  	[smem:$0x3FC6] =	sst s2  }
0x8f: {  	_ = 	snop  }
0x90: {  	s2 =	sld [smem:$0x3FD0];
	(tm) =	ssettm $0x1  }
0x91: {  	s18 =	sld [smem:$0x3FFB];
	_ =	sdelay $0x3  }
0x92: {  	_ =	strace s18  }
0x93: {  	s3 =	sld [smem:$0x3FFC];
	_ =	sdelay $0x3  }
0x94: {  	_ =	strace s3  }
0x95: {  	s3 =	sld [smem:$0x3FFD];
	_ =	sdelay $0x3  }
0x96: {  	_ =	strace s3  }
0x97: {  	_ =	strace $0x8FFFFFFF  }
0x98: {  	s19 =	sld [smem:$0x3FDB];
	_ =	sdelay $0x1  }
0x99: {  	s4 =	simm.s32 $_scs_section_size  }
0x9a: {  	s5 =	simm.s32 $_size__tile_overlayer_lowered;
	s6 =	simm.s32 $_tile_overlayer_lowered  }
0x9b: {  	s22 =	simm.s32 $0x1BFF;
	s21 =	sshll.u32 s6, $0x1;
	s3 =	sadd.s32 s4, s19  }
0x9c: {  	s7 =	simm.s32 $0x0;
	s20 =	sshll.u32 s5, $0x1;
	s5 =	sadd.s32 s21, s3  }
0x9d: {  	[timem:s7], [sflag:s22] =	dma.local [hbm:s5], s20  }
0x9e: {  	_ =	swait.ge [sflag:s22], s20  }
0x9f: {  	s4 =	ssub.s32 $0x0, s20;
	[sflag:s22] =	ssyncset.done $0x0  }
0xa0: {  	[sflag:s22] =	ssyncadd.s32 s4;
	_ =	sdelay $0x1  }
0xa1: {  	s23 =	simm.s32 $0x1B8B  }
0xa2: {  	_ =	swait.ge [sflag:s23], $0x1  }
0xa3: {  	[sflag:s23] =	ssyncset.done $0x0  }
0xa4: {  	s25 =	simm.s32 $0x1B8E;
	s24 =	sld [smem:$0x3FFE];
	[sflag:s23] =	ssyncadd.s32 $0xFFFFFFFF  }
0xa5: {  	s26 =	simm.s32 $execute0_lowered;
	[smem:$0x3FD2] =	sst s25  }
0xa6: {  	s5 =	sshll.u32 s26, $0x1;
	_ =	strace $0x80000046;
	[dreg:$0x1] =	wrdreg $0xFFFFFFFF  }
0xa7: {  	s28 =	simm.s32 $_size_execute0_lowered;
	s3 =	sadd.s32 s3, s5;
	[dreg:$0x0] =	wrdreg $0x0  }
0xa8: {  	s5 =	sshll.u32 s28, $0x1;
	[dreg:$0x2] =	wrdreg s3  }
0xa9: {  	[dreg:$0x3] =	wrdreg s5  }
0xaa: {  	[dreg:$0x4] =	wrdreg $0xC0  }
0xab: {  	_ =	task [dreg:s7], $0x5FFFF  }
0xac: {  	[dreg:$0x1] =	wrdreg $0xFFFFFFFF  }
0xad: {  	[dreg:$0x0] =	wrdreg $0x60  }
0xae: {  	[dreg:$0x2] =	wrdreg s24  }
0xaf: {  	[dreg:$0x3] =	wrdreg s2  }
0xb0: {  	[dreg:$0x4] =	wrdreg $0x9  }
0xb1: {  	_ =	task.clear_ibuf [dreg:s7], $0x5FFFF;
	_ =	strace $0x90000046  }
0xb2: {  	s29 =	simm.s32 $0x9;
	_ =	strace $0x80000048  }
0xb3: {  	_ =	swait.ge [sflag:s29], $0x1  }
0xb4: {  	[sflag:s29] =	ssyncadd.s32 $0xFFFFFFFF  }
0xb5: {  	_ =	strace $0x90000048  }
0xb6: {  	_ =	sfence  }
0xb7: {  	s30 =	sld [smem:$0x0];
	_ =	sdelay $0x2  }
0xb8: {  	s31 =	sshll.u32 s1, $0xD;
	s1 =	sshrl.u32 s1, $0x2  }
0xb9: {  	s3 =	sand.u32 $0x4000, s31;
	s1 =	sadd.s32 s1, s30  }
0xba: {  	s0 =	sor.u32 s3, s0;
	s1 =	sshll.u32 s1, $0x11  }
0xbb: {  	s0 =	sor.u32 s1, s0  }
0xbc: {  	s0 =	sadd.s32 $0x8F2B, s0  }
0xbd: {  	[sflag:s0] =	ssyncadd.remote.s32 $0x1  }
0xbe: {  	_ =	sfence.sel $0xFFFF  }
0xbf: {  	[dreg:$0x0] =	wrdreg $0xFFFFFFFF;
	(pc) =	sbr.abs _section_cstart, $3  }
0xc0: {  	[dreg:$0x1] =	wrdreg $0xFFFFFFFF  }
0xc1: {  	_ =	task.clear_ibuf [dreg:s7], $0x2FFFF;
	_ =	strace $0x9FFFFFFF  }
0xc2: {  	(tm) =	ssettm $0x7FFFFFFF  }
0xc3: {  	_ =	shalt  }
tec
execute0_lowered:
.L_overlay_start_1:
0x0: {  	(tag) =	ssettag $0x1  }
0x1: {  	s0 =	rddreg [dreg:$0x0]  }
0x2: {  	s1 =	rddreg [dreg:$0x1];
	s3 =	simm.s32 $0x0  }
0x3: {  	s2 =	srdreg.scid;
	s4 =	stileid.u32;
	s16 =	simm.s32 $0x80  }
0x4: {  	s17 =	simm.s32 $0x4000;
	s18 =	simm.s32 $0x280;
	s29 =	simm.s32 $0x100  }
0x5: {  	s30 =	simm.s32 $0x2500;
	s31 =	simm.s32 $0x3500;
	s10 =	simm.s32 $0x4500  }
0x6: {  	s28 =	simm.s32 $0x2;
	s13 =	simm.s32 $0x3;
	s14 =	simm.s32 $0x20000  }
0x7: {  	s19 =	simm.s32 $0x5;
	s2 =	sand.u32 $0x1, s2;
	s5 =	sshll.u32 s4, $0x1  }
0x8: {  	s9 =	simm.s32 $0x0;
	s6 =	ssub.s32 $0x2, s2;
	s2 =	sor.u32 s2, s5  }
0x9: {  	[smem:$0x7FF] =	sst s3;
	s4 =	sadd.s32 $0x600, s0;
	s7 =	sshll.u32 s2, $0x6  }
0xa: {  	_ =	strace $0x80000047;
	s21 =	sshll.u32 s2, $0x9;
	s7 =	sadd.s32 s4, s7  }
0xb: {  	s5 =	sadd.s32 $0xF42A00, s0;
	s22 =	sadd.s32 s1, s21;
	[dreg:$0x3] =	wrdreg s7  }
0xc: {  	s20 =	sshrl.u32 s6, $0x1;
	s8 =	sadd.s32 $0x2800, s7;
	[dreg:$0x5] =	wrdreg s22  }
0xd: {  	s0 =	ssub.s32 s6, s20;
	s23 =	sadd.s32 $0x5000, s7;
	[dreg:$0x4] =	wrdreg s8  }
0xe: {  	s6 =	simm.s32 $0x4;
	s24 =	sadd.s32 $0x50000, s22;
	[dreg:$0x6] =	wrdreg s23  }
0xf: {  	s20 =	simm.s32 $0x1;
	s25 =	sadd.s32 $0x7800, s7;
	[dreg:$0x7] =	wrdreg s24  }
0x10: {  	s21 =	simm.s32 $0x6;
	s26 =	sadd.s32 $0x280180, s22;
	[dreg:$0x8] =	wrdreg s25  }
0x11: {  	s0 =	smax.u32 s0, $0x1;
	s7 =	simm.s32 $0x400;
	[dreg:$0x9] =	wrdreg s26  }
0x12: {  	s8 =	sshll.u32 s2, $0x2;
	s2 =	sadd.s32 $0x2D0180, s22;
	[dreg:$0xb] =	wrdreg s0  }
0x13: {  	s25 =	simm.s32 $0x500;
	s26 =	simm.s32 $0x1500;
	s24 =	simm.s32 $0x180  }
0x14: {  	s23 =	simm.s32 $0x5500;
	[dreg:$0xa] =	wrdreg s2;
	s2 =	simm.s32 $0x200  }
.LBB2_1:
0x15: {  	[dreg:$0xc] =	wrdreg s9  }
0x16: {  	s0 =	rddreg [dreg:$0x3]  }
0x17: {  	[tilespmem:s3], [sflag:$0x1] =	stream.strided.gather [hbm4b:s0+s16], $0x280, s17, s16, $0x38;
	[tilespmem:$0x14500] =	vst v63  }
0x18: {  	s12 =	rddreg [dreg:$0x4]  }
0x19: {  	[tilespmem:s18], [sflag:$0x2] =	stream.strided.gather [hbm4b:s12+s16], $0x280, s17, s16, $0x38;
	[tilespmem:$0x14500] =	vst v63  }
0x1a: {  	_ =	swait.ge [sflag:s20], $0x280  }
0x1b: {  	[sflag:s20] =	ssyncset.done $0x0  }
0x1c: {  	[sflag:s20] =	ssyncadd.s32 $0xFFFFFD80  }
0x1d: {  	[tilespmem:s25], [sflag:$0x3] =	stream.indirect.gather [hbm4b:s5+s16], $0x20, s3, s16, $0xb8;
	[tilespmem:$0x14500] =	vst v63  }
0x1e: {  	_ = 	snop  }
0x1f: {  	[tilespmem:s26], [sflag:$0x3] =	stream.indirect.gather [hbm4b:s5+s16], $0x20, s16, s16, $0xb8;
	[tilespmem:$0x14500] =	vst v63  }
0x20: {  	_ = 	snop  }
0x21: {  	[tilespmem:s30], [sflag:$0x3] =	stream.indirect.gather [hbm4b:s5+s16], $0x20, s29, s16, $0xb8;
	[tilespmem:$0x14500] =	vst v63  }
0x22: {  	_ = 	snop  }
0x23: {  	[tilespmem:s31], [sflag:$0x3] =	stream.indirect.gather [hbm4b:s5+s16], $0x20, s24, s16, $0xb8;
	[tilespmem:$0x14500] =	vst v63  }
0x24: {  	_ = 	snop  }
0x25: {  	[tilespmem:s10], [sflag:$0x3] =	stream.indirect.gather [hbm4b:s5+s16], $0x20, s2, s16, $0xb8;
	[tilespmem:$0x14500] =	vst v63  }
0x26: {  	_ =	swait.ge [sflag:s28], $0x280  }
0x27: {  	[sflag:s28] =	ssyncset.done $0x0  }
0x28: {  	[sflag:s28] =	ssyncadd.s32 $0xFFFFFD80  }
0x29: {  	[tilespmem:s23], [sflag:$0x4] =	stream.indirect.gather [hbm4b:s5+s16], $0x20, s18, s16, $0xb8;
	[tilespmem:$0x14500] =	vst v63  }
0x2a: {  	s9 =	simm.s32 $0x300;
	s22 =	simm.s32 $0x6500  }
0x2b: {  	[tilespmem:s22], [sflag:$0x4] =	stream.indirect.gather [hbm4b:s5+s16], $0x20, s9, s16, $0xb8;
	[tilespmem:$0x14500] =	vst v63  }
0x2c: {  	s11 =	simm.s32 $0x380;
	s15 =	simm.s32 $0x7500  }
0x2d: {  	[tilespmem:s15], [sflag:$0x4] =	stream.indirect.gather [hbm4b:s5+s16], $0x20, s11, s16, $0xb8;
	[tilespmem:$0x14500] =	vst v63  }
0x2e: {  	s12 =	simm.s32 $0x8500  }
0x2f: {  	[tilespmem:s12], [sflag:$0x4] =	stream.indirect.gather [hbm4b:s5+s16], $0x20, s7, s16, $0xb8;
	[tilespmem:$0x14500] =	vst v63  }
0x30: {  	s15 =	simm.s32 $0x480;
	s12 =	simm.s32 $0x9500  }
0x31: {  	[tilespmem:s12], [sflag:$0x4] =	stream.indirect.gather [hbm4b:s5+s16], $0x20, s15, s16, $0xb8;
	[tilespmem:$0x14500] =	vst v63  }
0x32: {  	_ =	swait.ge [sflag:s13], $0x1000  }
0x33: {  	[sflag:s13] =	ssyncset.done $0x0  }
0x34: {  	[sflag:s13] =	ssyncadd.s32 $0xFFFFF000  }
0x35: {  	_ =	swait.ge [sflag:s13], $0x1000  }
0x36: {  	[sflag:s13] =	ssyncset.done $0x0  }
0x37: {  	[sflag:s13] =	ssyncadd.s32 $0xFFFFF000  }
0x38: {  	_ =	swait.ge [sflag:s13], $0x1000  }
0x39: {  	[sflag:s13] =	ssyncset.done $0x0  }
0x3a: {  	[sflag:s13] =	ssyncadd.s32 $0xFFFFF000  }
0x3b: {  	_ =	swait.ge [sflag:s13], $0x1000  }
0x3c: {  	[sflag:s13] =	ssyncset.done $0x0  }
0x3d: {  	[sflag:s13] =	ssyncadd.s32 $0xFFFFF000  }
0x3e: {  	_ =	swait.ge [sflag:s13], $0x1000  }
0x3f: {  	[sflag:s13] =	ssyncset.done $0x0  }
0x40: {  	s15 =	simm.s32 $0xA500;
	s12 =	rddreg [dreg:$0x5];
	[sflag:s13] =	ssyncadd.s32 $0xFFFFF000  }
0x41: {  	[hbm4b:s12+s7] =	stream.strided.scatter [tilespmem:s15], [sflag:$0x5], $0x5000, s14, s7, $0x38;
	[tilespmem:$0x14500] =	vst v63  }
0x42: {  	s12 =	rddreg [dreg:$0x6]  }
0x43: {  	[tilespmem:s3], [sflag:$0x1] =	stream.strided.gather [hbm4b:s12+s16], $0x280, s17, s16, $0x38;
	[tilespmem:$0x14500] =	vst v63  }
0x44: {  	_ =	swait.ge [sflag:s20], $0x280  }
0x45: {  	[sflag:s20] =	ssyncset.done $0x0  }
0x46: {  	[sflag:s20] =	ssyncadd.s32 $0xFFFFFD80  }
0x47: {  	[tilespmem:s25], [sflag:$0x3] =	stream.indirect.gather [hbm4b:s5+s16], $0x20, s3, s16, $0xb8;
	[tilespmem:$0x14500] =	vst v63  }
0x48: {  	_ = 	snop  }
0x49: {  	[tilespmem:s26], [sflag:$0x3] =	stream.indirect.gather [hbm4b:s5+s16], $0x20, s16, s16, $0xb8;
	[tilespmem:$0x14500] =	vst v63  }
0x4a: {  	_ = 	snop  }
0x4b: {  	[tilespmem:s30], [sflag:$0x3] =	stream.indirect.gather [hbm4b:s5+s16], $0x20, s29, s16, $0xb8;
	[tilespmem:$0x14500] =	vst v63  }
0x4c: {  	_ = 	snop  }
0x4d: {  	[tilespmem:s31], [sflag:$0x3] =	stream.indirect.gather [hbm4b:s5+s16], $0x20, s24, s16, $0xb8;
	[tilespmem:$0x14500] =	vst v63  }
0x4e: {  	_ = 	snop  }
0x4f: {  	[tilespmem:s10], [sflag:$0x3] =	stream.indirect.gather [hbm4b:s5+s16], $0x20, s2, s16, $0xb8;
	[tilespmem:$0x14500] =	vst v63  }
0x50: {  	_ =	swait.ge [sflag:s6], $0x1000  }
0x51: {  	[sflag:s6] =	ssyncset.done $0x0  }
0x52: {  	[sflag:s6] =	ssyncadd.s32 $0xFFFFF000  }
0x53: {  	_ =	swait.ge [sflag:s6], $0x1000  }
0x54: {  	[sflag:s6] =	ssyncset.done $0x0  }
0x55: {  	[sflag:s6] =	ssyncadd.s32 $0xFFFFF000  }
0x56: {  	_ =	swait.ge [sflag:s6], $0x1000  }
0x57: {  	[sflag:s6] =	ssyncset.done $0x0  }
0x58: {  	[sflag:s6] =	ssyncadd.s32 $0xFFFFF000  }
0x59: {  	_ =	swait.ge [sflag:s6], $0x1000  }
0x5a: {  	[sflag:s6] =	ssyncset.done $0x0  }
0x5b: {  	[sflag:s6] =	ssyncadd.s32 $0xFFFFF000  }
0x5c: {  	_ =	swait.ge [sflag:s6], $0x1000  }
0x5d: {  	[sflag:s6] =	ssyncset.done $0x0  }
0x5e: {  	s12 =	simm.s32 $0xF500;
	s10 =	rddreg [dreg:$0x7];
	[sflag:s6] =	ssyncadd.s32 $0xFFFFF000  }
0x5f: {  	[hbm4b:s10+s7] =	stream.strided.scatter [tilespmem:s12], [sflag:$0x6], $0x5000, s14, s7, $0x38;
	[tilespmem:$0x14500] =	vst v63  }
0x60: {  	s2 =	rddreg [dreg:$0x8]  }
0x61: {  	[tilespmem:s18], [sflag:$0x2] =	stream.strided.gather [hbm4b:s2+s16], $0x280, s17, s16, $0x38;
	[tilespmem:$0x14500] =	vst v63  }
0x62: {  	_ =	swait.ge [sflag:s28], $0x280  }
0x63: {  	[sflag:s28] =	ssyncset.done $0x0  }
0x64: {  	[sflag:s28] =	ssyncadd.s32 $0xFFFFFD80  }
0x65: {  	[tilespmem:s23], [sflag:$0x4] =	stream.indirect.gather [hbm4b:s5+s16], $0x20, s18, s16, $0xb8;
	[tilespmem:$0x14500] =	vst v63  }
0x66: {  	_ = 	snop  }
0x67: {  	[tilespmem:s22], [sflag:$0x4] =	stream.indirect.gather [hbm4b:s5+s16], $0x20, s9, s16, $0xb8;
	[tilespmem:$0x14500] =	vst v63  }
0x68: {  	s10 =	simm.s32 $0x7500  }
0x69: {  	[tilespmem:s10], [sflag:$0x4] =	stream.indirect.gather [hbm4b:s5+s16], $0x20, s11, s16, $0xb8;
	[tilespmem:$0x14500] =	vst v63  }
0x6a: {  	s11 =	simm.s32 $0x8500  }
0x6b: {  	[tilespmem:s11], [sflag:$0x4] =	stream.indirect.gather [hbm4b:s5+s16], $0x20, s7, s16, $0xb8;
	[tilespmem:$0x14500] =	vst v63  }
0x6c: {  	s23 =	simm.s32 $0x480;
	s22 =	simm.s32 $0x9500  }
0x6d: {  	[tilespmem:s22], [sflag:$0x4] =	stream.indirect.gather [hbm4b:s5+s16], $0x20, s23, s16, $0xb8;
	[tilespmem:$0x14500] =	vst v63  }
0x6e: {  	s0 =	simm.s32 $0x2;
	_ =	swait.ge [sflag:s13], $0x1000  }
0x6f: {  	s11 =	simm.s32 $0x4;
	s22 =	sand.u32 $0xFE, s0;
	[sflag:s13] =	ssyncset.done $0x0  }
0x70: {  	s23 =	sand.u32 $0xFE, s11;
	s22 =	smul.u32 $0xCD, s22;
	[sflag:s13] =	ssyncadd.s32 $0xFFFFF000  }
0x71: {  	s23 =	smul.u32 $0xCD, s23;
	_ =	swait.ge [sflag:s13], $0x1000  }
0x72: {  	[sflag:s13] =	ssyncset.done $0x0  }
0x73: {  	s22 =	sshrl.u32 s22, $0xB;
	s23 =	sshrl.u32 s23, $0xB;
	[sflag:s13] =	ssyncadd.s32 $0xFFFFF000  }
0x74: {  	s11 =	sadd.s32 s23, s8;
	s23 =	smul.u32 $0xA, s23;
	_ =	swait.ge [sflag:s13], $0x1000  }
0x75: {  	s22 =	smul.u32 $0xA, s22;
	[sflag:s13] =	ssyncset.done $0x0  }
0x76: {  	[dreg:$0xd] =	wrdreg s23;
	[sflag:s13] =	ssyncadd.s32 $0xFFFFF000  }
0x77: {  	s0 =	sand.u32 $0xFF, s20;
	s22 =	ssub.s32 $0x2, s22;
	_ =	swait.ge [sflag:s13], $0x1000  }
0x78: {  	s23 =	smul.u32 $0xCD, s0;
	s0 =	sand.u32 $0xFE, s22;
	s22 =	rddreg [dreg:$0xd]  }
0x79: {  	s22 =	ssub.s32 $0x4, s22  }
0x7a: {  	s0 =	smul.u32 $0x280000, s0;
	[sflag:s13] =	ssyncset.done $0x0;
	s22 =	sand.u32 $0xFE, s22  }
0x7b: {  	[sflag:s13] =	ssyncadd.s32 $0xFFFFF000;
	s22 =	smul.u32 $0x14000, s22  }
0x7c: {  	s23 =	sshrl.u32 s23, $0xA;
	_ =	swait.ge [sflag:s13], $0x1000;
	[dreg:$0xe] =	wrdreg s0  }
0x7d: {  	s23 =	sadd.s32 s23, s8;
	[sflag:s13] =	ssyncset.done $0x0;
	[dreg:$0xf] =	wrdreg s22  }
0x7e: {  	s0 =	sshll.u32 s23, $0xA;
	[sflag:s13] =	ssyncadd.s32 $0xFFFFF000;
	s22 =	rddreg [dreg:$0xe]  }
0x7f: {  	s23 =	sshll.u32 s11, $0x7;
	s11 =	sor.u32 s0, s22;
	_ =	swait.ge [sflag:s19], $0x5000  }
0x80: {  	s22 =	sshrl.u32 s11, $0x3;
	s11 =	rddreg [dreg:$0xf]  }
0x81: {  	[sflag:s19] =	ssyncset.done $0x0;
	s23 =	sor.u32 s11, s23  }
0x82: {  	s22 =	sadd.s32 s1, s22;
	[sflag:s19] =	ssyncadd.s32 $0xFFFFB000;
	s23 =	sshrl.u32 s23, $0x3  }
0x83: {  	[hbm4b:s22+s7] =	stream.strided.scatter [tilespmem:s15], [sflag:$0x5], $0x5000, s14, s7, $0x38;
	[tilespmem:$0x14500] =	vst v63  }
0x84: {  	s23 =	sadd.s32 s4, s23  }
0x85: {  	[tilespmem:s3], [sflag:$0x1] =	stream.strided.gather [hbm4b:s23+s16], $0x280, s17, s16, $0x38;
	[tilespmem:$0x14500] =	vst v63  }
0x86: {  	_ =	swait.ge [sflag:s20], $0x280  }
0x87: {  	[sflag:s20] =	ssyncset.done $0x0  }
0x88: {  	[sflag:s20] =	ssyncadd.s32 $0xFFFFFD80  }
0x89: {  	[tilespmem:s25], [sflag:$0x3] =	stream.indirect.gather [hbm4b:s5+s16], $0x20, s3, s16, $0xb8;
	[tilespmem:$0x14500] =	vst v63  }
0x8a: {  	_ = 	snop  }
0x8b: {  	[tilespmem:s26], [sflag:$0x3] =	stream.indirect.gather [hbm4b:s5+s16], $0x20, s16, s16, $0xb8;
	[tilespmem:$0x14500] =	vst v63  }
0x8c: {  	_ = 	snop  }
0x8d: {  	[tilespmem:s30], [sflag:$0x3] =	stream.indirect.gather [hbm4b:s5+s16], $0x20, s29, s16, $0xb8;
	[tilespmem:$0x14500] =	vst v63  }
0x8e: {  	_ = 	snop  }
0x8f: {  	[tilespmem:s31], [sflag:$0x3] =	stream.indirect.gather [hbm4b:s5+s16], $0x20, s24, s16, $0xb8;
	[tilespmem:$0x14500] =	vst v63  }
0x90: {  	s2 =	simm.s32 $0x200;
	s10 =	simm.s32 $0x4500  }
0x91: {  	[tilespmem:s10], [sflag:$0x3] =	stream.indirect.gather [hbm4b:s5+s16], $0x20, s2, s16, $0xb8;
	[tilespmem:$0x14500] =	vst v63  }
0x92: {  	_ =	swait.ge [sflag:s6], $0x1000  }
0x93: {  	[sflag:s6] =	ssyncset.done $0x0  }
0x94: {  	[sflag:s6] =	ssyncadd.s32 $0xFFFFF000  }
0x95: {  	_ =	swait.ge [sflag:s6], $0x1000  }
0x96: {  	s29 =	sshllo.u32 s20, $0x1;
	[sflag:s6] =	ssyncset.done $0x0  }
0x97: {  	s30 =	sand.u32 $0xFF, s29;
	s31 =	simm.s32 $0x5;
	[sflag:s6] =	ssyncadd.s32 $0xFFFFF000  }
0x98: {  	s23 =	smul.u32 $0xCD, s30;
	s22 =	sand.u32 $0xFF, s31;
	_ =	swait.ge [sflag:s6], $0x1000  }
0x99: {  	s22 =	smul.u32 $0xCD, s22;
	[sflag:s6] =	ssyncset.done $0x0  }
0x9a: {  	s23 =	sshrl.u32 s23, $0xB;
	[sflag:s6] =	ssyncadd.s32 $0xFFFFF000  }
0x9b: {  	s23 =	smul.u32 $0xA, s23;
	s22 =	sshrl.u32 s22, $0xB;
	_ =	swait.ge [sflag:s6], $0x1000  }
0x9c: {  	s15 =	smul.u32 $0xA, s22;
	[sflag:s6] =	ssyncset.done $0x0  }
0x9d: {  	s30 =	simm.s32 $0xF500;
	s23 =	ssub.s32 s29, s23;
	[sflag:s6] =	ssyncadd.s32 $0xFFFFF000  }
0x9e: {  	s23 =	sand.u32 $0xFF, s23;
	s26 =	ssub.s32 $0x5, s15;
	_ =	swait.ge [sflag:s6], $0x1000  }
0x9f: {  	s25 =	smul.u32 $0x280000, s23;
	s23 =	sand.u32 $0xFF, s26;
	[sflag:s6] =	ssyncset.done $0x0  }
0xa0: {  	s22 =	sadd.s32 s22, s8;
	s23 =	smul.u32 $0x14000, s23;
	[sflag:s6] =	ssyncadd.s32 $0xFFFFF000  }
0xa1: {  	s22 =	sshll.u32 s22, $0x7;
	s0 =	sor.u32 s0, s25;
	_ =	swait.ge [sflag:s21], $0x5000  }
0xa2: {  	s0 =	sshrl.u32 s0, $0x3;
	s22 =	sadd.s32 s23, s22;
	[sflag:s21] =	ssyncset.done $0x0  }
0xa3: {  	s29 =	sadd.s32 s1, s0;
	s22 =	sshrl.u32 s22, $0x3;
	[sflag:s21] =	ssyncadd.s32 $0xFFFFB000  }
0xa4: {  	[hbm4b:s29+s7] =	stream.strided.scatter [tilespmem:s30], [sflag:$0x6], $0x5000, s14, s7, $0x38;
	[tilespmem:$0x14500] =	vst v63  }
0xa5: {  	s22 =	sadd.s32 s4, s22  }
0xa6: {  	[tilespmem:s18], [sflag:$0x2] =	stream.strided.gather [hbm4b:s22+s16], $0x280, s17, s16, $0x38;
	[tilespmem:$0x14500] =	vst v63  }
0xa7: {  	s12 =	simm.s32 $0x6500;
	s9 =	simm.s32 $0x7500;
	_ =	swait.ge [sflag:s28], $0x280  }
0xa8: {  	s11 =	simm.s32 $0xA500;
	s31 =	simm.s32 $0x5500;
	[sflag:s28] =	ssyncset.done $0x0  }
0xa9: {  	s15 =	simm.s32 $0xF500;
	s22 =	simm.s32 $0x2;
	[sflag:s28] =	ssyncadd.s32 $0xFFFFFD80  }
0xaa: {  	[tilespmem:s31], [sflag:$0x4] =	stream.indirect.gather [hbm4b:s5+s16], $0x20, s18, s16, $0xb8;
	[tilespmem:$0x14500] =	vst v63  }
.LBB2_2:
0xab: {  	s0 =	simm.s32 $0x300  }
0xac: {  	s24 =	smov.u32 s22;
	p0 =	sne.s32 s22, $0x12;
	s22 =	sadd.s32 $0x1, s22  }
0xad: {  	[tilespmem:s12], [sflag:$0x4] =	stream.indirect.gather [hbm4b:s5+s16], $0x20, s0, s16, $0xb8;
	[tilespmem:$0x14500] =	vst v63  }
0xae: {  	s31 =	simm.s32 $0x9500;
	s25 =	sshllo.u32 s24, $0x1;
	s0 =	simm.s32 $0x380  }
0xaf: {  	[tilespmem:s9], [sflag:$0x4] =	stream.indirect.gather [hbm4b:s5+s16], $0x20, s0, s16, $0xb8;
	[tilespmem:$0x14500] =	vst v63  }
0xb0: {  	s23 =	sshll.u32 s24, $0x1;
	s24 =	sand.u32 $0xFF, s24;
	s0 =	simm.s32 $0x8500  }
0xb1: {  	[tilespmem:s0], [sflag:$0x4] =	stream.indirect.gather [hbm4b:s5+s16], $0x20, s7, s16, $0xb8;
	[tilespmem:$0x14500] =	vst v63  }
0xb2: {  	s26 =	sand.u32 $0xFF, s25;
	s29 =	sand.u32 $0xFE, s23;
	s24 =	smul.u32 $0xCD, s24  }
0xb3: {  	s30 =	sadd.s32 $0x2, s23;
	s26 =	smul.u32 $0xCD, s26;
	s0 =	simm.s32 $0x480  }
0xb4: {  	[tilespmem:s31], [sflag:$0x4] =	stream.indirect.gather [hbm4b:s5+s16], $0x20, s0, s16, $0xb8;
	[tilespmem:$0x14500] =	vst v63  }
0xb5: {  	s29 =	smul.u32 $0xCD, s29;
	s31 =	sand.u32 $0xFE, s30;
	_ =	swait.ge [sflag:s13], $0x1000  }
0xb6: {  	s26 =	sshrl.u32 s26, $0xB;
	s31 =	smul.u32 $0xCD, s31;
	[sflag:s13] =	ssyncset.done $0x0  }
0xb7: {  	s24 =	sshrl.u32 s24, $0xA;
	s29 =	sshrl.u32 s29, $0xB;
	[sflag:s13] =	ssyncadd.s32 $0xFFFFF000  }
0xb8: {  	s26 =	smul.u32 $0xA, s26;
	s31 =	sshrl.u32 s31, $0xB;
	_ =	swait.ge [sflag:s13], $0x1000  }
0xb9: {  	s29 =	smul.u32 $0xA, s29;
	s0 =	sadd.s32 s31, s8;
	[sflag:s13] =	ssyncset.done $0x0  }
0xba: {  	s25 =	ssub.s32 s25, s26;
	s31 =	smul.u32 $0xA, s31;
	[sflag:s13] =	ssyncadd.s32 $0xFFFFF000  }
0xbb: {  	s24 =	sadd.s32 s24, s8;
	s26 =	ssub.s32 s23, s29;
	_ =	swait.ge [sflag:s13], $0x1000  }
0xbc: {  	s26 =	sand.u32 $0xFE, s26;
	s29 =	ssub.s32 s30, s31;
	[sflag:s13] =	ssyncset.done $0x0  }
0xbd: {  	s25 =	sand.u32 $0xFF, s25;
	s29 =	sand.u32 $0xFE, s29;
	[sflag:s13] =	ssyncadd.s32 $0xFFFFF000  }
0xbe: {  	s26 =	smul.u32 $0x280000, s26;
	s0 =	sshll.u32 s0, $0x7;
	_ =	swait.ge [sflag:s13], $0x1000  }
0xbf: {  	s24 =	sshll.u32 s24, $0xA;
	s25 =	smul.u32 $0x280000, s25;
	[sflag:s13] =	ssyncset.done $0x0  }
0xc0: {  	s26 =	sor.u32 s24, s26;
	s29 =	smul.u32 $0x14000, s29;
	[sflag:s13] =	ssyncadd.s32 $0xFFFFF000  }
0xc1: {  	s26 =	sshrl.u32 s26, $0x3;
	s30 =	sadd.s32 $0x3, s23;
	_ =	swait.ge [sflag:s13], $0x1000  }
0xc2: {  	s26 =	sadd.s32 s1, s26;
	s23 =	sor.u32 s24, s25;
	[sflag:s13] =	ssyncset.done $0x0  }
0xc3: {  	s25 =	simm.s32 $0x500;
	s31 =	sand.u32 $0xFF, s30;
	[sflag:s13] =	ssyncadd.s32 $0xFFFFF000  }
0xc4: {  	s0 =	sor.u32 s29, s0;
	s29 =	simm.s32 $0x100;
	_ =	swait.ge [sflag:s19], $0x5000  }
0xc5: {  	s23 =	sshrl.u32 s23, $0x3;
	s24 =	smul.u32 $0xCD, s31;
	[sflag:s19] =	ssyncset.done $0x0  }
0xc6: {  	s31 =	simm.s32 $0x3500;
	s0 =	sshrl.u32 s0, $0x3;
	[sflag:s19] =	ssyncadd.s32 $0xFFFFB000  }
0xc7: {  	[hbm4b:s26+s7] =	stream.strided.scatter [tilespmem:s11], [sflag:$0x5], $0x5000, s14, s7, $0x38;
	[tilespmem:$0x14500] =	vst v63  }
0xc8: {  	s26 =	simm.s32 $0x1500  }
0xc9: {  	s24 =	sshrl.u32 s24, $0xB;
	s0 =	sadd.s32 s4, s0  }
0xca: {  	[tilespmem:s3], [sflag:$0x1] =	stream.strided.gather [hbm4b:s0+s16], $0x280, s17, s16, $0x38;
	[tilespmem:$0x14500] =	vst v63  }
0xcb: {  	s0 =	smul.u32 $0xA, s24;
	s24 =	sadd.s32 s24, s8;
	_ =	swait.ge [sflag:s20], $0x280  }
0xcc: {  	[sflag:s20] =	ssyncset.done $0x0  }
0xcd: {  	s0 =	ssub.s32 s30, s0;
	s30 =	simm.s32 $0x2500;
	[sflag:s20] =	ssyncadd.s32 $0xFFFFFD80  }
0xce: {  	[tilespmem:s25], [sflag:$0x3] =	stream.indirect.gather [hbm4b:s5+s16], $0x20, s3, s16, $0xb8;
	[tilespmem:$0x14500] =	vst v63  }
0xcf: {  	s0 =	sand.u32 $0xFF, s0  }
0xd0: {  	[tilespmem:s26], [sflag:$0x3] =	stream.indirect.gather [hbm4b:s5+s16], $0x20, s16, s16, $0xb8;
	[tilespmem:$0x14500] =	vst v63  }
0xd1: {  	s24 =	sshll.u32 s24, $0x7;
	s0 =	smul.u32 $0x14000, s0  }
0xd2: {  	[tilespmem:s30], [sflag:$0x3] =	stream.indirect.gather [hbm4b:s5+s16], $0x20, s29, s16, $0xb8;
	[tilespmem:$0x14500] =	vst v63  }
0xd3: {  	s0 =	sadd.s32 s0, s24;
	s24 =	simm.s32 $0x180  }
0xd4: {  	[tilespmem:s31], [sflag:$0x3] =	stream.indirect.gather [hbm4b:s5+s16], $0x20, s24, s16, $0xb8;
	[tilespmem:$0x14500] =	vst v63  }
0xd5: {  	_ = 	snop  }
0xd6: {  	[tilespmem:s10], [sflag:$0x3] =	stream.indirect.gather [hbm4b:s5+s16], $0x20, s2, s16, $0xb8;
	[tilespmem:$0x14500] =	vst v63  }
0xd7: {  	_ =	swait.ge [sflag:s6], $0x1000  }
0xd8: {  	[sflag:s6] =	ssyncset.done $0x0  }
0xd9: {  	[sflag:s6] =	ssyncadd.s32 $0xFFFFF000  }
0xda: {  	_ =	swait.ge [sflag:s6], $0x1000  }
0xdb: {  	[sflag:s6] =	ssyncset.done $0x0  }
0xdc: {  	[sflag:s6] =	ssyncadd.s32 $0xFFFFF000  }
0xdd: {  	_ =	swait.ge [sflag:s6], $0x1000  }
0xde: {  	[sflag:s6] =	ssyncset.done $0x0  }
0xdf: {  	[sflag:s6] =	ssyncadd.s32 $0xFFFFF000  }
0xe0: {  	_ =	swait.ge [sflag:s6], $0x1000  }
0xe1: {  	[sflag:s6] =	ssyncset.done $0x0  }
0xe2: {  	[sflag:s6] =	ssyncadd.s32 $0xFFFFF000  }
0xe3: {  	_ =	swait.ge [sflag:s6], $0x1000  }
0xe4: {  	[sflag:s6] =	ssyncset.done $0x0  }
0xe5: {  	[sflag:s6] =	ssyncadd.s32 $0xFFFFF000  }
0xe6: {  	_ =	swait.ge [sflag:s21], $0x5000  }
0xe7: {  	s0 =	sshrl.u32 s0, $0x3;
	[sflag:s21] =	ssyncset.done $0x0  }
0xe8: {  	s23 =	sadd.s32 s1, s23;
	s0 =	sadd.s32 s4, s0;
	[sflag:s21] =	ssyncadd.s32 $0xFFFFB000  }
0xe9: {  	[hbm4b:s23+s7] =	stream.strided.scatter [tilespmem:s15], [sflag:$0x6], $0x5000, s14, s7, $0x38;
	[tilespmem:$0x14500] =	vst v63  }
0xea: {  	s23 =	simm.s32 $0x5500;
	_ =	sdelay $0x1  }
0xeb: {  	[tilespmem:s18], [sflag:$0x2] =	stream.strided.gather [hbm4b:s0+s16], $0x280, s17, s16, $0x38;
	[tilespmem:$0x14500] =	vst v63  }
.Ltmp0:
0xec: {  	_ = 	snop;
	(pc) =	sbr.rel @p0 .LBB2_2-.Ltmp0, $4  }
0xed: {  	_ =	swait.ge [sflag:s28], $0x280  }
0xee: {  	[sflag:s28] =	ssyncset.done $0x0  }
0xef: {  	[sflag:s28] =	ssyncadd.s32 $0xFFFFFD80  }
0xf0: {  	[tilespmem:s23], [sflag:$0x4] =	stream.indirect.gather [hbm4b:s5+s16], $0x20, s18, s16, $0xb8;
	[tilespmem:$0x14500] =	vst v63  }
0xf1: {  	s0 =	simm.s32 $0x300  }
0xf2: {  	[tilespmem:s12], [sflag:$0x4] =	stream.indirect.gather [hbm4b:s5+s16], $0x20, s0, s16, $0xb8;
	[tilespmem:$0x14500] =	vst v63  }
0xf3: {  	s22 =	simm.s32 $0x380  }
0xf4: {  	[tilespmem:s9], [sflag:$0x4] =	stream.indirect.gather [hbm4b:s5+s16], $0x20, s22, s16, $0xb8;
	[tilespmem:$0x14500] =	vst v63  }
0xf5: {  	s2 =	simm.s32 $0x8500  }
0xf6: {  	[tilespmem:s2], [sflag:$0x4] =	stream.indirect.gather [hbm4b:s5+s16], $0x20, s7, s16, $0xb8;
	[tilespmem:$0x14500] =	vst v63  }
0xf7: {  	s9 =	simm.s32 $0x480;
	s2 =	simm.s32 $0x9500  }
0xf8: {  	[tilespmem:s2], [sflag:$0x4] =	stream.indirect.gather [hbm4b:s5+s16], $0x20, s9, s16, $0xb8;
	[tilespmem:$0x14500] =	vst v63  }
0xf9: {  	_ =	swait.ge [sflag:s13], $0x1000  }
0xfa: {  	[sflag:s13] =	ssyncset.done $0x0  }
0xfb: {  	[sflag:s13] =	ssyncadd.s32 $0xFFFFF000  }
0xfc: {  	_ =	swait.ge [sflag:s13], $0x1000  }
0xfd: {  	[sflag:s13] =	ssyncset.done $0x0  }
0xfe: {  	[sflag:s13] =	ssyncadd.s32 $0xFFFFF000  }
0xff: {  	_ =	swait.ge [sflag:s13], $0x1000  }
0x100: {  	[sflag:s13] =	ssyncset.done $0x0  }
0x101: {  	[sflag:s13] =	ssyncadd.s32 $0xFFFFF000  }
0x102: {  	_ =	swait.ge [sflag:s13], $0x1000  }
0x103: {  	[sflag:s13] =	ssyncset.done $0x0  }
0x104: {  	[sflag:s13] =	ssyncadd.s32 $0xFFFFF000  }
0x105: {  	_ =	swait.ge [sflag:s13], $0x1000  }
0x106: {  	[sflag:s13] =	ssyncset.done $0x0  }
0x107: {  	[sflag:s13] =	ssyncadd.s32 $0xFFFFF000  }
0x108: {  	_ =	swait.ge [sflag:s19], $0x5000  }
0x109: {  	[sflag:s19] =	ssyncset.done $0x0  }
0x10a: {  	s10 =	rddreg [dreg:$0x9];
	[sflag:s19] =	ssyncadd.s32 $0xFFFFB000  }
0x10b: {  	[hbm4b:s10+s7] =	stream.strided.scatter [tilespmem:s11], [sflag:$0x5], $0x5000, s14, s7, $0x38;
	[tilespmem:$0x14500] =	vst v63  }
0x10c: {  	_ =	swait.ge [sflag:s6], $0x1000  }
0x10d: {  	[sflag:s6] =	ssyncset.done $0x0  }
0x10e: {  	[sflag:s6] =	ssyncadd.s32 $0xFFFFF000  }
0x10f: {  	_ =	swait.ge [sflag:s6], $0x1000  }
0x110: {  	[sflag:s6] =	ssyncset.done $0x0  }
0x111: {  	[sflag:s6] =	ssyncadd.s32 $0xFFFFF000  }
0x112: {  	_ =	swait.ge [sflag:s6], $0x1000  }
0x113: {  	[sflag:s6] =	ssyncset.done $0x0  }
0x114: {  	[sflag:s6] =	ssyncadd.s32 $0xFFFFF000  }
0x115: {  	_ =	swait.ge [sflag:s6], $0x1000  }
0x116: {  	[sflag:s6] =	ssyncset.done $0x0  }
0x117: {  	[sflag:s6] =	ssyncadd.s32 $0xFFFFF000  }
0x118: {  	_ =	swait.ge [sflag:s6], $0x1000  }
0x119: {  	[sflag:s6] =	ssyncset.done $0x0  }
0x11a: {  	[sflag:s6] =	ssyncadd.s32 $0xFFFFF000  }
0x11b: {  	_ =	swait.ge [sflag:s21], $0x5000  }
0x11c: {  	[sflag:s21] =	ssyncset.done $0x0  }
0x11d: {  	s12 =	rddreg [dreg:$0xa];
	[sflag:s21] =	ssyncadd.s32 $0xFFFFB000  }
0x11e: {  	[hbm4b:s12+s7] =	stream.strided.scatter [tilespmem:s15], [sflag:$0x6], $0x5000, s14, s7, $0x38;
	[tilespmem:$0x14500] =	vst v63  }
0x11f: {  	_ =	swait.ge [sflag:s19], $0x5000  }
0x120: {  	[sflag:s19] =	ssyncset.done $0x0  }
0x121: {  	[sflag:s19] =	ssyncadd.s32 $0xFFFFB000  }
0x122: {  	_ =	swait.ge [sflag:s21], $0x5000  }
0x123: {  	s15 =	rddreg [dreg:$0xc]  }
0x124: {  	s22 =	rddreg [dreg:$0xb];
	s9 =	sadd.s32 $0x1, s15  }
0x125: {  	p0 =	sne.s32 s9, s22  }
.Ltmp1:
0x126: {  	_ = 	snop;
	(pc) =	sbr.rel @p0 .LBB2_1-.Ltmp1, $3  }
0x127: {  	_ =	sdelay $0x1  }
0x128: {  	[sflag:s21] =	ssyncset.done $0x0  }
0x129: {  	s2 =	simm.s32 $0x200;
	s10 =	simm.s32 $0x4500;
	[sflag:s21] =	ssyncadd.s32 $0xFFFFB000  }
0x12a: {  	_ =	sfence.sel $0x180000  }
0x12b: {  	[bflag:$0x0] =	sbarrier.arrive $0xFFFF  }
0x12c: {  	_ =	strace $0x90000047  }
0x12d: {  	s0 =	stileid.u32;
	[bflag:$0x2] =	sbarrier.arrive $0xFFFF  }
0x12e: {  	p0 =	sne.s32 s0, $0x0;
	s0 =	rddreg [dreg:$0x2]  }
0x12f: {  	s0 =	sadd.s32 @!p0 $0x100000, s0  }
0x130: {  	[sflag:s0] =	ssyncadd.tile.s32 @!p0 $0x1;
	_ =	shalt  }
.Lfunc_end2:
_tile_overlayer_lowered:
.L_overlay_start_2:
0x131: {  	(tag) =	ssettag $0x2  }
0x132: {  	s0 =	rddreg [dreg:$0x0];
	s2 =	stileid.u32  }
0x133: {  	s1 =	rddreg [dreg:$0x1];
	p0 =	sne.s32 s2, $0x0  }
0x134: {  	s3 =	rddreg [dreg:$0x2];
	[bflag:$0x3] =	sbarrier.arrive $0xFFFF;
	s2 =	simm.s32 @!p0 $0x1C07  }
0x135: {  	[timem:s3], [sflag:s2] =	dma.local @!p0 [hbm:s0], s1  }
0x136: {  	s0 =	simm.s32 @!p0 $0x7  }
0x137: {  	_ =	swait.ge @!p0 [sflag:s0], s1  }
0x138: {  	s1 =	ssub.s32 @!p0 $0x0, s1;
	[sflag:s0] =	ssyncset.done @!p0 $0x0  }
0x139: {  	[sflag:s0] =	ssyncadd.s32 @!p0 s1  }
0x13a: {  	[bflag:$0x3] =	sbarrier.arrive $0xFFFF  }
0x13b: {  	_ =	shalt  }

</sc_bundles>
